<compile_context>
chip_gen: v7x
topology: tpu7x:2x2x1
jax: 0.10.2.dev20260603
libtpu: 0.0.44.dev20260713+nightly
codegen_flags: <defaults>
</compile_context>

<pallas_src>
import functools

import jax
import jax.numpy as jnp
from jax import lax
from jax.experimental import pallas as pl
from jax.experimental.pallas import tpu as pltpu
from jax.experimental.pallas import tpu_sc as plsc

_V = 100000
_D = 128
_L = 200
_QN = 1
_BLK = 10000
_STEP = _QN * _BLK
_NB = _V // _STEP
_NT = 8
_RPT = _L // _NT
_RPAD = 32


def _mean_body(idx_hbm, emb_hbm, out_hbm, idx_v, rows_v, acc_v, sem):
    wid = lax.axis_index("s")

    @pl.when(wid < _NT)
    def _():
        pltpu.sync_copy(idx_hbm.at[wid], idx_v)
        pltpu.async_copy(emb_hbm.at[idx_v.at[pl.ds(0, _RPT)]],
                         rows_v, sem).wait()
        for k in range(_D // 16):
            acc = rows_v[0, pl.ds(16 * k, 16)]
            for r in range(1, _RPT):
                acc = acc + rows_v[r, pl.ds(16 * k, 16)]
            acc_v[pl.ds(16 * k, 16)] = acc
        pltpu.sync_copy(acc_v, out_hbm.at[wid])


@functools.cache
def _mean_kernel():
    return pl.kernel(
        _mean_body,
        out_type=jax.ShapeDtypeStruct((_NT, _D), jnp.float32),
        mesh=plsc.VectorSubcoreMesh(core_axis_name="c", subcore_axis_name="s",
                                    num_cores=1),
        scratch_types=[
            pltpu.VMEM((_RPAD,), jnp.int32),
            pltpu.VMEM((_RPT, _D), jnp.float32),
            pltpu.VMEM((_D,), jnp.float32),
            pltpu.SemaphoreType.DMA,
        ],
    )


def _fused_body(p_ref, *refs):
    w_refs = refs[:_QN]
    b_ref, out_ref, sc_ref, m_ref, s_ref = refs[_QN:]
    p = pl.program_id(0)
    j = pl.program_id(1)

    @pl.when(jnp.logical_and(p == 0, j == 0))
    def _():
        m_ref[0] = -jnp.inf
        s_ref[0] = 0.0

    @pl.when(p == 0)
    def _():
        mean = jnp.sum(p_ref[...], axis=0, keepdims=True) * (1.0 / _L)
        mb = mean.astype(jnp.bfloat16)
        xs = [lax.dot_general(mb, w_ref[...].astype(jnp.bfloat16),
                              (((1,), (1,)), ((), ())),
                              preferred_element_type=jnp.float32)
              for w_ref in w_refs]
        x = jnp.concatenate(xs, axis=1)
        x = x + b_ref[0]
        sc_ref[pl.ds(j, 1), :] = x
        m_old = m_ref[0]
        m_new = jnp.maximum(m_old, jnp.max(x))
        s_ref[0] = s_ref[0] * jnp.exp(m_old - m_new) + jnp.sum(jnp.exp(x - m_new))
        m_ref[0] = m_new

    @pl.when(p == 1)
    def _():
        lse = m_ref[0] + jnp.log(s_ref[0])
        out_ref[0] = sc_ref[pl.ds(j, 1), :] - lse


def _fused_call(partials, W, b3):
    return pl.pallas_call(
        _fused_body,
        grid=(2, _NB),
        in_specs=[
            pl.BlockSpec((_NT, _D), lambda p, j: (0, 0)),
            *[pl.BlockSpec(
                (_BLK, _D),
                functools.partial(
                    lambda q, p, j: (jnp.where(p == 0, _QN * j + q,
                                               _QN * (_NB - 1) + q), 0), q))
              for q in range(_QN)],
            pl.BlockSpec((1, 1, _STEP),
                         lambda p, j: (jnp.where(p == 0, j, _NB - 1), 0, 0)),
        ],
        out_specs=pl.BlockSpec((1, 1, _STEP),
                               lambda p, j: (jnp.where(p == 0, 0, j), 0, 0)),
        out_shape=jax.ShapeDtypeStruct((_NB, 1, _STEP), jnp.float32),
        scratch_shapes=[
            pltpu.VMEM((_NB, _STEP), jnp.float32),
            pltpu.SMEM((1,), jnp.float32),
            pltpu.SMEM((1,), jnp.float32),
        ],
    )(partials, *([W] * _QN), b3)


def kernel(input, emb, W, b):
    idx = jnp.pad(input.astype(jnp.int32).reshape(_NT, _RPT),
                  ((0, 0), (0, _RPAD - _RPT)))
    partials = _mean_kernel()(idx, emb)
    out = _fused_call(partials, W, b.reshape(_NB, 1, _STEP))
    return out.reshape(1, _V)

# --- scband reference (transcript-rebuilt; emitter-appended) ---
"""Pipeline reference for scband-cbow-model-32804960206911 (READ-ONLY COPY).

The authoritative reference and input builder live on the scoring server;
editing this copy changes nothing except your own understanding.
"""

import jax, jax.numpy as jnp
import numpy as np

VOCAB = 100000
DIMS = 128
L = 200

def setup_inputs(seed: int = 0) -> dict:
    key = jax.random.key(seed)
    k1, k2, k3, k4 = jax.random.split(key, 4)
    inp = jax.random.randint(k1, (L,), 0, VOCAB, dtype=jnp.int64) if jax.config.jax_enable_x64 else jax.random.randint(k1, (L,), 0, VOCAB, dtype=jnp.int32)
    emb = jax.random.normal(k2, (VOCAB, DIMS), dtype=jnp.float32)
    W = jax.random.normal(k3, (VOCAB, DIMS), dtype=jnp.float32) * 0.02
    b = jnp.zeros((VOCAB,), dtype=jnp.float32)
    return {"input": inp, "emb": emb, "W": W, "b": b}

def reference(input, emb, W, b):
    # nn.Embedding lookup -> gather rows
    embeds = jnp.take(emb, input, axis=0)          # [L, DIMS]
    # torch.mean(..., dim=0)
    mean_embed = jnp.mean(embeds, axis=0)          # [DIMS]
    # nn.Linear(dims, vocab): y = x @ W.T + b
    out = mean_embed.reshape(1, -1) @ W.T + b      # [1, VOCAB]
    # F.log_softmax(out, dim=1)
    return jax.nn.log_softmax(out, axis=1)

if __name__ == "__main__":
    import jax
    _d = setup_inputs()
    print(jax.jit(kernel)(*tuple(_d.values())))

</pallas_src>

<mosaic_0001>
#map = affine_map<(d0, d1) -> (0, 0)>
module attributes {stable_mosaic.version = 14 : i64} {
  func.func @_mean_body(%arg0: i32, %arg1: i32, %arg2: memref<8x32xi32, #tpu.memory_space<hbm>>, %arg3: memref<100000x128xf32, #tpu.memory_space<hbm>>, %arg4: memref<8x128xf32, #tpu.memory_space<hbm>>, %arg5: memref<32xi32, #tpu.memory_space<vmem>>, %arg6: memref<25x128xf32, #tpu.memory_space<vmem>>, %arg7: memref<128xf32, #tpu.memory_space<vmem>>, %arg8: memref<!tpu.dma_semaphore, #tpu.memory_space<semaphore_mem>>) attributes {dimension_semantics = [#tpu.dimension_semantics<core_parallel>, #tpu.dimension_semantics<subcore_parallel>], iteration_bounds = array<i64: 1, 16>, scalar_prefetch = 0 : i64, scratch_operands = 4 : i64, tpu.core_type = #tpu.core_type<sc_vector_subcore>, window_params = [{transform_indices = #map}, {transform_indices = #map}, {transform_indices = #map}]} {
    %lt3A = arith.constant 8 : i32
    %lt3A_0 = arith.cmpi slt, %arg1, %lt3A : i32
    %convert_element_type3A = arith.extui %lt3A_0 : i1 to i32
    %cond3A = arith.constant 0 : i32
    %cond3A_1 = arith.cmpi ne, %convert_element_type3A, %cond3A : i32
    scf.if %cond3A_1 {
      "tpu.region"() ({
        %run_scoped3A = tpu.sem_alloc : memref<!tpu.dma_semaphore, #tpu.memory_space<semaphore_mem>>
        %dma_start3A_1231 = arith.constant 0 : i32
        %dma_start3A_1232 = tpu.memref_slice %arg2[%arg1, %dma_start3A_1231] : memref<8x32xi32, #tpu.memory_space<hbm>> -> memref<1x32xi32, #tpu.memory_space<hbm>>
        %dma_start3A_1233 = tpu.memref_squeeze %dma_start3A_1232 : memref<1x32xi32, #tpu.memory_space<hbm>> -> memref<32xi32, #tpu.memory_space<hbm>>
        %dma_start3A_1234 = arith.constant 0 : i32
        %dma_start3A_1235 = tpu.memref_slice %arg2[%arg1, %dma_start3A_1234] : memref<8x32xi32, #tpu.memory_space<hbm>> -> memref<1x32xi32, #tpu.memory_space<hbm>>
        %dma_start3A_1236 = tpu.memref_squeeze %dma_start3A_1235 : memref<1x32xi32, #tpu.memory_space<hbm>> -> memref<32xi32, #tpu.memory_space<hbm>>
        tpu.enqueue_dma source(%dma_start3A_1236 : memref<32xi32, #tpu.memory_space<hbm>>) target(%arg5 : memref<32xi32, #tpu.memory_space<vmem>>) target_semaphore(%run_scoped3A : memref<!tpu.dma_semaphore, #tpu.memory_space<semaphore_mem>>)
        %dma_wait3A_1237 = arith.constant 0 : i32
        %dma_wait3A_1238 = tpu.memref_slice %arg2[%arg1, %dma_wait3A_1237] : memref<8x32xi32, #tpu.memory_space<hbm>> -> memref<1x32xi32, #tpu.memory_space<hbm>>
        %dma_wait3A_1239 = tpu.memref_squeeze %dma_wait3A_1238 : memref<1x32xi32, #tpu.memory_space<hbm>> -> memref<32xi32, #tpu.memory_space<hbm>>
        %dma_wait3A_1240 = arith.constant 0 : i32
        %dma_wait3A_1241 = tpu.memref_slice %arg2[%arg1, %dma_wait3A_1240] : memref<8x32xi32, #tpu.memory_space<hbm>> -> memref<1x32xi32, #tpu.memory_space<hbm>>
        %dma_wait3A_1242 = tpu.memref_squeeze %dma_wait3A_1241 : memref<1x32xi32, #tpu.memory_space<hbm>> -> memref<32xi32, #tpu.memory_space<hbm>>
        tpu.wait_dma2 semaphore(%run_scoped3A : memref<!tpu.dma_semaphore, #tpu.memory_space<semaphore_mem>>) src(%dma_wait3A_1242 : memref<32xi32, #tpu.memory_space<hbm>>) dst(%arg5 : memref<32xi32, #tpu.memory_space<vmem>>)
        tpu.yield
      }) : () -> ()
      %dma_start3A = arith.constant 0 : i32
      %dma_start3A_2 = tpu.memref_slice %arg5[%dma_start3A] : memref<32xi32, #tpu.memory_space<vmem>> -> memref<25xi32, #tpu.memory_space<vmem>>
      %dma_start3A_3 = arith.constant 0 : i32
      %dma_start3A_4 = arith.constant 0 : i32
      %dma_start3A_5 = tpu.memref_slice %arg3[%dma_start3A_3, %dma_start3A_4] : memref<100000x128xf32, #tpu.memory_space<hbm>> -> memref<100000x128xf32, #tpu.memory_space<hbm>>
      tpu.enqueue_indirect_dma source(%dma_start3A_5 : memref<100000x128xf32, #tpu.memory_space<hbm>>) target(%arg6 : memref<25x128xf32, #tpu.memory_space<vmem>>) offsets(%dma_start3A_2 : memref<25xi32, #tpu.memory_space<vmem>>) semaphore(%arg8 : memref<!tpu.dma_semaphore, #tpu.memory_space<semaphore_mem>>)
      %dma_wait3A = arith.constant 0 : i32
      %dma_wait3A_6 = tpu.memref_slice %arg5[%dma_wait3A] : memref<32xi32, #tpu.memory_space<vmem>> -> memref<25xi32, #tpu.memory_space<vmem>>
      %dma_wait3A_7 = arith.constant 0 : i32
      %dma_wait3A_8 = arith.constant 0 : i32
      %dma_wait3A_9 = tpu.memref_slice %arg3[%dma_wait3A_7, %dma_wait3A_8] : memref<100000x128xf32, #tpu.memory_space<hbm>> -> memref<100000x128xf32, #tpu.memory_space<hbm>>
      tpu.wait_indirect_dma semaphore(%arg8 : memref<!tpu.dma_semaphore, #tpu.memory_space<semaphore_mem>>) src(%dma_wait3A_9 : memref<100000x128xf32, #tpu.memory_space<hbm>>) dst(%arg6 : memref<25x128xf32, #tpu.memory_space<vmem>>)
      %get3A = arith.constant 0 : i32
      %get3A_10 = arith.index_cast %get3A : i32 to index
      %get3A_11 = arith.constant 0 : index
      %get3A_12 = tpu.vector_load %arg6[%get3A_10, %get3A_11] {strides = array<i32>} : memref<25x128xf32, #tpu.memory_space<vmem>>, vector<1x16xf32>,
      %get3A_13 = vector.shape_cast %get3A_12 : vector<1x16xf32> to vector<16xf32>
      %get3A_14 = arith.constant 1 : i32
      %get3A_15 = arith.index_cast %get3A_14 : i32 to index
      %get3A_16 = arith.constant 0 : index
      %get3A_17 = tpu.vector_load %arg6[%get3A_15, %get3A_16] {strides = array<i32>} : memref<25x128xf32, #tpu.memory_space<vmem>>, vector<1x16xf32>,
      %get3A_18 = vector.shape_cast %get3A_17 : vector<1x16xf32> to vector<16xf32>
      %add3A = arith.addf %get3A_13, %get3A_18 : vector<16xf32>
      %get3A_19 = arith.constant 2 : i32
      %get3A_20 = arith.index_cast %get3A_19 : i32 to index
      %get3A_21 = arith.constant 0 : index
      %get3A_22 = tpu.vector_load %arg6[%get3A_20, %get3A_21] {strides = array<i32>} : memref<25x128xf32, #tpu.memory_space<vmem>>, vector<1x16xf32>,
      %get3A_23 = vector.shape_cast %get3A_22 : vector<1x16xf32> to vector<16xf32>
      %add3A_24 = arith.addf %add3A, %get3A_23 : vector<16xf32>
      %get3A_25 = arith.constant 3 : i32
      %get3A_26 = arith.index_cast %get3A_25 : i32 to index
      %get3A_27 = arith.constant 0 : index
      %get3A_28 = tpu.vector_load %arg6[%get3A_26, %get3A_27] {strides = array<i32>} : memref<25x128xf32, #tpu.memory_space<vmem>>, vector<1x16xf32>,
      %get3A_29 = vector.shape_cast %get3A_28 : vector<1x16xf32> to vector<16xf32>
      %add3A_30 = arith.addf %add3A_24, %get3A_29 : vector<16xf32>
      %get3A_31 = arith.constant 4 : i32
      %get3A_32 = arith.index_cast %get3A_31 : i32 to index
      %get3A_33 = arith.constant 0 : index
      %get3A_34 = tpu.vector_load %arg6[%get3A_32, %get3A_33] {strides = array<i32>} : memref<25x128xf32, #tpu.memory_space<vmem>>, vector<1x16xf32>,
      %get3A_35 = vector.shape_cast %get3A_34 : vector<1x16xf32> to vector<16xf32>
      %add3A_36 = arith.addf %add3A_30, %get3A_35 : vector<16xf32>
      %get3A_37 = arith.constant 5 : i32
      %get3A_38 = arith.index_cast %get3A_37 : i32 to index
      %get3A_39 = arith.constant 0 : index
      %get3A_40 = tpu.vector_load %arg6[%get3A_38, %get3A_39] {strides = array<i32>} : memref<25x128xf32, #tpu.memory_space<vmem>>, vector<1x16xf32>,
      %get3A_41 = vector.shape_cast %get3A_40 : vector<1x16xf32> to vector<16xf32>
      %add3A_42 = arith.addf %add3A_36, %get3A_41 : vector<16xf32>
      %get3A_43 = arith.constant 6 : i32
      %get3A_44 = arith.index_cast %get3A_43 : i32 to index
      %get3A_45 = arith.constant 0 : index
      %get3A_46 = tpu.vector_load %arg6[%get3A_44, %get3A_45] {strides = array<i32>} : memref<25x128xf32, #tpu.memory_space<vmem>>, vector<1x16xf32>,
      %get3A_47 = vector.shape_cast %get3A_46 : vector<1x16xf32> to vector<16xf32>
      %add3A_48 = arith.addf %add3A_42, %get3A_47 : vector<16xf32>
      %get3A_49 = arith.constant 7 : i32
      %get3A_50 = arith.index_cast %get3A_49 : i32 to index
      %get3A_51 = arith.constant 0 : index
      %get3A_52 = tpu.vector_load %arg6[%get3A_50, %get3A_51] {strides = array<i32>} : memref<25x128xf32, #tpu.memory_space<vmem>>, vector<1x16xf32>,
      %get3A_53 = vector.shape_cast %get3A_52 : vector<1x16xf32> to vector<16xf32>
      %add3A_54 = arith.addf %add3A_48, %get3A_53 : vector<16xf32>
      %get3A_55 = arith.constant 8 : i32
      %get3A_56 = arith.index_cast %get3A_55 : i32 to index
      %get3A_57 = arith.constant 0 : index
      %get3A_58 = tpu.vector_load %arg6[%get3A_56, %get3A_57] {strides = array<i32>} : memref<25x128xf32, #tpu.memory_space<vmem>>, vector<1x16xf32>,
      %get3A_59 = vector.shape_cast %get3A_58 : vector<1x16xf32> to vector<16xf32>
      %add3A_60 = arith.addf %add3A_54, %get3A_59 : vector<16xf32>
      %get3A_61 = arith.constant 9 : i32
      %get3A_62 = arith.index_cast %get3A_61 : i32 to index
      %get3A_63 = arith.constant 0 : index
      %get3A_64 = tpu.vector_load %arg6[%get3A_62, %get3A_63] {strides = array<i32>} : memref<25x128xf32, #tpu.memory_space<vmem>>, vector<1x16xf32>,
      %get3A_65 = vector.shape_cast %get3A_64 : vector<1x16xf32> to vector<16xf32>
      %add3A_66 = arith.addf %add3A_60, %get3A_65 : vector<16xf32>
      %get3A_67 = arith.constant 10 : i32
      %get3A_68 = arith.index_cast %get3A_67 : i32 to index
      %get3A_69 = arith.constant 0 : index
      %get3A_70 = tpu.vector_load %arg6[%get3A_68, %get3A_69] {strides = array<i32>} : memref<25x128xf32, #tpu.memory_space<vmem>>, vector<1x16xf32>,
      %get3A_71 = vector.shape_cast %get3A_70 : vector<1x16xf32> to vector<16xf32>
      %add3A_72 = arith.addf %add3A_66, %get3A_71 : vector<16xf32>
      %get3A_73 = arith.constant 11 : i32
      %get3A_74 = arith.index_cast %get3A_73 : i32 to index
      %get3A_75 = arith.constant 0 : index
      %get3A_76 = tpu.vector_load %arg6[%get3A_74, %get3A_75] {strides = array<i32>} : memref<25x128xf32, #tpu.memory_space<vmem>>, vector<1x16xf32>,
      %get3A_77 = vector.shape_cast %get3A_76 : vector<1x16xf32> to vector<16xf32>
      %add3A_78 = arith.addf %add3A_72, %get3A_77 : vector<16xf32>
      %get3A_79 = arith.constant 12 : i32
      %get3A_80 = arith.index_cast %get3A_79 : i32 to index
      %get3A_81 = arith.constant 0 : index
      %get3A_82 = tpu.vector_load %arg6[%get3A_80, %get3A_81] {strides = array<i32>} : memref<25x128xf32, #tpu.memory_space<vmem>>, vector<1x16xf32>,
      %get3A_83 = vector.shape_cast %get3A_82 : vector<1x16xf32> to vector<16xf32>
      %add3A_84 = arith.addf %add3A_78, %get3A_83 : vector<16xf32>
      %get3A_85 = arith.constant 13 : i32
      %get3A_86 = arith.index_cast %get3A_85 : i32 to index
      %get3A_87 = arith.constant 0 : index
      %get3A_88 = tpu.vector_load %arg6[%get3A_86, %get3A_87] {strides = array<i32>} : memref<25x128xf32, #tpu.memory_space<vmem>>, vector<1x16xf32>,
      %get3A_89 = vector.shape_cast %get3A_88 : vector<1x16xf32> to vector<16xf32>
      %add3A_90 = arith.addf %add3A_84, %get3A_89 : vector<16xf32>
      %get3A_91 = arith.constant 14 : i32
      %get3A_92 = arith.index_cast %get3A_91 : i32 to index
      %get3A_93 = arith.constant 0 : index
      %get3A_94 = tpu.vector_load %arg6[%get3A_92, %get3A_93] {strides = array<i32>} : memref<25x128xf32, #tpu.memory_space<vmem>>, vector<1x16xf32>,
      %get3A_95 = vector.shape_cast %get3A_94 : vector<1x16xf32> to vector<16xf32>
      %add3A_96 = arith.addf %add3A_90, %get3A_95 : vector<16xf32>
      %get3A_97 = arith.constant 15 : i32
      %get3A_98 = arith.index_cast %get3A_97 : i32 to index
      %get3A_99 = arith.constant 0 : index
      %get3A_100 = tpu.vector_load %arg6[%get3A_98, %get3A_99] {strides = array<i32>} : memref<25x128xf32, #tpu.memory_space<vmem>>, vector<1x16xf32>,
      %get3A_101 = vector.shape_cast %get3A_100 : vector<1x16xf32> to vector<16xf32>
      %add3A_102 = arith.addf %add3A_96, %get3A_101 : vector<16xf32>
      %get3A_103 = arith.constant 16 : i32
      %get3A_104 = arith.index_cast %get3A_103 : i32 to index
      %get3A_105 = arith.constant 0 : index
      %get3A_106 = tpu.vector_load %arg6[%get3A_104, %get3A_105] {strides = array<i32>} : memref<25x128xf32, #tpu.memory_space<vmem>>, vector<1x16xf32>,
      %get3A_107 = vector.shape_cast %get3A_106 : vector<1x16xf32> to vector<16xf32>
      %add3A_108 = arith.addf %add3A_102, %get3A_107 : vector<16xf32>
      %get3A_109 = arith.constant 17 : i32
      %get3A_110 = arith.index_cast %get3A_109 : i32 to index
      %get3A_111 = arith.constant 0 : index
      %get3A_112 = tpu.vector_load %arg6[%get3A_110, %get3A_111] {strides = array<i32>} : memref<25x128xf32, #tpu.memory_space<vmem>>, vector<1x16xf32>,
      %get3A_113 = vector.shape_cast %get3A_112 : vector<1x16xf32> to vector<16xf32>
      %add3A_114 = arith.addf %add3A_108, %get3A_113 : vector<16xf32>
      %get3A_115 = arith.constant 18 : i32
      %get3A_116 = arith.index_cast %get3A_115 : i32 to index
      %get3A_117 = arith.constant 0 : index
      %get3A_118 = tpu.vector_load %arg6[%get3A_116, %get3A_117] {strides = array<i32>} : memref<25x128xf32, #tpu.memory_space<vmem>>, vector<1x16xf32>,
      %get3A_119 = vector.shape_cast %get3A_118 : vector<1x16xf32> to vector<16xf32>
      %add3A_120 = arith.addf %add3A_114, %get3A_119 : vector<16xf32>
      %get3A_121 = arith.constant 19 : i32
      %get3A_122 = arith.index_cast %get3A_121 : i32 to index
      %get3A_123 = arith.constant 0 : index
      %get3A_124 = tpu.vector_load %arg6[%get3A_122, %get3A_123] {strides = array<i32>} : memref<25x128xf32, #tpu.memory_space<vmem>>, vector<1x16xf32>,
      %get3A_125 = vector.shape_cast %get3A_124 : vector<1x16xf32> to vector<16xf32>
      %add3A_126 = arith.addf %add3A_120, %get3A_125 : vector<16xf32>
      %get3A_127 = arith.constant 20 : i32
      %get3A_128 = arith.index_cast %get3A_127 : i32 to index
      %get3A_129 = arith.constant 0 : index
      %get3A_130 = tpu.vector_load %arg6[%get3A_128, %get3A_129] {strides = array<i32>} : memref<25x128xf32, #tpu.memory_space<vmem>>, vector<1x16xf32>,
      %get3A_131 = vector.shape_cast %get3A_130 : vector<1x16xf32> to vector<16xf32>
      %add3A_132 = arith.addf %add3A_126, %get3A_131 : vector<16xf32>
      %get3A_133 = arith.constant 21 : i32
      %get3A_134 = arith.index_cast %get3A_133 : i32 to index
      %get3A_135 = arith.constant 0 : index
      %get3A_136 = tpu.vector_load %arg6[%get3A_134, %get3A_135] {strides = array<i32>} : memref<25x128xf32, #tpu.memory_space<vmem>>, vector<1x16xf32>,
      %get3A_137 = vector.shape_cast %get3A_136 : vector<1x16xf32> to vector<16xf32>
      %add3A_138 = arith.addf %add3A_132, %get3A_137 : vector<16xf32>
      %get3A_139 = arith.constant 22 : i32
      %get3A_140 = arith.index_cast %get3A_139 : i32 to index
      %get3A_141 = arith.constant 0 : index
      %get3A_142 = tpu.vector_load %arg6[%get3A_140, %get3A_141] {strides = array<i32>} : memref<25x128xf32, #tpu.memory_space<vmem>>, vector<1x16xf32>,
      %get3A_143 = vector.shape_cast %get3A_142 : vector<1x16xf32> to vector<16xf32>
      %add3A_144 = arith.addf %add3A_138, %get3A_143 : vector<16xf32>
      %get3A_145 = arith.constant 23 : i32
      %get3A_146 = arith.index_cast %get3A_145 : i32 to index
      %get3A_147 = arith.constant 0 : index
      %get3A_148 = tpu.vector_load %arg6[%get3A_146, %get3A_147] {strides = array<i32>} : memref<25x128xf32, #tpu.memory_space<vmem>>, vector<1x16xf32>,
      %get3A_149 = vector.shape_cast %get3A_148 : vector<1x16xf32> to vector<16xf32>
      %add3A_150 = arith.addf %add3A_144, %get3A_149 : vector<16xf32>
      %get3A_151 = arith.constant 24 : i32
      %get3A_152 = arith.index_cast %get3A_151 : i32 to index
      %get3A_153 = arith.constant 0 : index
      %get3A_154 = tpu.vector_load %arg6[%get3A_152, %get3A_153] {strides = array<i32>} : memref<25x128xf32, #tpu.memory_space<vmem>>, vector<1x16xf32>,
      %get3A_155 = vector.shape_cast %get3A_154 : vector<1x16xf32> to vector<16xf32>
      %add3A_156 = arith.addf %add3A_150, %get3A_155 : vector<16xf32>
      %swap3A = arith.constant 0 : index
      %swap3A_157 = tpu.vector_load %arg7[%swap3A] {strides = array<i32>} : memref<128xf32, #tpu.memory_space<vmem>>, vector<16xf32>,
      %swap3A_158 = vector.shape_cast %swap3A_157 : vector<16xf32> to vector<16xf32>
      %swap3A_159 = vector.shape_cast %add3A_156 : vector<16xf32> to vector<16xf32>
      tpu.vector_store %arg7[%swap3A], %swap3A_159 {strides = array<i32>} : memref<128xf32, #tpu.memory_space<vmem>>, vector<16xf32>,
      %get3A_160 = arith.constant 0 : i32
      %get3A_161 = arith.index_cast %get3A_160 : i32 to index
      %get3A_162 = arith.constant 16 : index
      %get3A_163 = tpu.vector_load %arg6[%get3A_161, %get3A_162] {strides = array<i32>} : memref<25x128xf32, #tpu.memory_space<vmem>>, vector<1x16xf32>,
      %get3A_164 = vector.shape_cast %get3A_163 : vector<1x16xf32> to vector<16xf32>
      %get3A_165 = arith.constant 1 : i32
      %get3A_166 = arith.index_cast %get3A_165 : i32 to index
      %get3A_167 = arith.constant 16 : index
      %get3A_168 = tpu.vector_load %arg6[%get3A_166, %get3A_167] {strides = array<i32>} : memref<25x128xf32, #tpu.memory_space<vmem>>, vector<1x16xf32>,
      %get3A_169 = vector.shape_cast %get3A_168 : vector<1x16xf32> to vector<16xf32>
      %add3A_170 = arith.addf %get3A_164, %get3A_169 : vector<16xf32>
      %get3A_171 = arith.constant 2 : i32
      %get3A_172 = arith.index_cast %get3A_171 : i32 to index
      %get3A_173 = arith.constant 16 : index
      %get3A_174 = tpu.vector_load %arg6[%get3A_172, %get3A_173] {strides = array<i32>} : memref<25x128xf32, #tpu.memory_space<vmem>>, vector<1x16xf32>,
      %get3A_175 = vector.shape_cast %get3A_174 : vector<1x16xf32> to vector<16xf32>
      %add3A_176 = arith.addf %add3A_170, %get3A_175 : vector<16xf32>
      %get3A_177 = arith.constant 3 : i32
      %get3A_178 = arith.index_cast %get3A_177 : i32 to index
      %get3A_179 = arith.constant 16 : index
      %get3A_180 = tpu.vector_load %arg6[%get3A_178, %get3A_179] {strides = array<i32>} : memref<25x128xf32, #tpu.memory_space<vmem>>, vector<1x16xf32>,
      %get3A_181 = vector.shape_cast %get3A_180 : vector<1x16xf32> to vector<16xf32>
      %add3A_182 = arith.addf %add3A_176, %get3A_181 : vector<16xf32>
      %get3A_183 = arith.constant 4 : i32
      %get3A_184 = arith.index_cast %get3A_183 : i32 to index
      %get3A_185 = arith.constant 16 : index
      %get3A_186 = tpu.vector_load %arg6[%get3A_184, %get3A_185] {strides = array<i32>} : memref<25x128xf32, #tpu.memory_space<vmem>>, vector<1x16xf32>,
      %get3A_187 = vector.shape_cast %get3A_186 : vector<1x16xf32> to vector<16xf32>
      %add3A_188 = arith.addf %add3A_182, %get3A_187 : vector<16xf32>
      %get3A_189 = arith.constant 5 : i32
      %get3A_190 = arith.index_cast %get3A_189 : i32 to index
      %get3A_191 = arith.constant 16 : index
      %get3A_192 = tpu.vector_load %arg6[%get3A_190, %get3A_191] {strides = array<i32>} : memref<25x128xf32, #tpu.memory_space<vmem>>, vector<1x16xf32>,
      %get3A_193 = vector.shape_cast %get3A_192 : vector<1x16xf32> to vector<16xf32>
      %add3A_194 = arith.addf %add3A_188, %get3A_193 : vector<16xf32>
      %get3A_195 = arith.constant 6 : i32
      %get3A_196 = arith.index_cast %get3A_195 : i32 to index
      %get3A_197 = arith.constant 16 : index
      %get3A_198 = tpu.vector_load %arg6[%get3A_196, %get3A_197] {strides = array<i32>} : memref<25x128xf32, #tpu.memory_space<vmem>>, vector<1x16xf32>,
      %get3A_199 = vector.shape_cast %get3A_198 : vector<1x16xf32> to vector<16xf32>
      %add3A_200 = arith.addf %add3A_194, %get3A_199 : vector<16xf32>
      %get3A_201 = arith.constant 7 : i32
      %get3A_202 = arith.index_cast %get3A_201 : i32 to index
      %get3A_203 = arith.constant 16 : index
      %get3A_204 = tpu.vector_load %arg6[%get3A_202, %get3A_203] {strides = array<i32>} : memref<25x128xf32, #tpu.memory_space<vmem>>, vector<1x16xf32>,
      %get3A_205 = vector.shape_cast %get3A_204 : vector<1x16xf32> to vector<16xf32>
      %add3A_206 = arith.addf %add3A_200, %get3A_205 : vector<16xf32>
      %get3A_207 = arith.constant 8 : i32
      %get3A_208 = arith.index_cast %get3A_207 : i32 to index
      %get3A_209 = arith.constant 16 : index
      %get3A_210 = tpu.vector_load %arg6[%get3A_208, %get3A_209] {strides = array<i32>} : memref<25x128xf32, #tpu.memory_space<vmem>>, vector<1x16xf32>,
      %get3A_211 = vector.shape_cast %get3A_210 : vector<1x16xf32> to vector<16xf32>
      %add3A_212 = arith.addf %add3A_206, %get3A_211 : vector<16xf32>
      %get3A_213 = arith.constant 9 : i32
      %get3A_214 = arith.index_cast %get3A_213 : i32 to index
      %get3A_215 = arith.constant 16 : index
      %get3A_216 = tpu.vector_load %arg6[%get3A_214, %get3A_215] {strides = array<i32>} : memref<25x128xf32, #tpu.memory_space<vmem>>, vector<1x16xf32>,
      %get3A_217 = vector.shape_cast %get3A_216 : vector<1x16xf32> to vector<16xf32>
      %add3A_218 = arith.addf %add3A_212, %get3A_217 : vector<16xf32>
      %get3A_219 = arith.constant 10 : i32
      %get3A_220 = arith.index_cast %get3A_219 : i32 to index
      %get3A_221 = arith.constant 16 : index
      %get3A_222 = tpu.vector_load %arg6[%get3A_220, %get3A_221] {strides = array<i32>} : memref<25x128xf32, #tpu.memory_space<vmem>>, vector<1x16xf32>,
      %get3A_223 = vector.shape_cast %get3A_222 : vector<1x16xf32> to vector<16xf32>
      %add3A_224 = arith.addf %add3A_218, %get3A_223 : vector<16xf32>
      %get3A_225 = arith.constant 11 : i32
      %get3A_226 = arith.index_cast %get3A_225 : i32 to index
      %get3A_227 = arith.constant 16 : index
      %get3A_228 = tpu.vector_load %arg6[%get3A_226, %get3A_227] {strides = array<i32>} : memref<25x128xf32, #tpu.memory_space<vmem>>, vector<1x16xf32>,
      %get3A_229 = vector.shape_cast %get3A_228 : vector<1x16xf32> to vector<16xf32>
      %add3A_230 = arith.addf %add3A_224, %get3A_229 : vector<16xf32>
      %get3A_231 = arith.constant 12 : i32
      %get3A_232 = arith.index_cast %get3A_231 : i32 to index
      %get3A_233 = arith.constant 16 : index
      %get3A_234 = tpu.vector_load %arg6[%get3A_232, %get3A_233] {strides = array<i32>} : memref<25x128xf32, #tpu.memory_space<vmem>>, vector<1x16xf32>,
      %get3A_235 = vector.shape_cast %get3A_234 : vector<1x16xf32> to vector<16xf32>
      %add3A_236 = arith.addf %add3A_230, %get3A_235 : vector<16xf32>
      %get3A_237 = arith.constant 13 : i32
      %get3A_238 = arith.index_cast %get3A_237 : i32 to index
      %get3A_239 = arith.constant 16 : index
      %get3A_240 = tpu.vector_load %arg6[%get3A_238, %get3A_239] {strides = array<i32>} : memref<25x128xf32, #tpu.memory_space<vmem>>, vector<1x16xf32>,
      %get3A_241 = vector.shape_cast %get3A_240 : vector<1x16xf32> to vector<16xf32>
      %add3A_242 = arith.addf %add3A_236, %get3A_241 : vector<16xf32>
      %get3A_243 = arith.constant 14 : i32
      %get3A_244 = arith.index_cast %get3A_243 : i32 to index
      %get3A_245 = arith.constant 16 : index
      %get3A_246 = tpu.vector_load %arg6[%get3A_244, %get3A_245] {strides = array<i32>} : memref<25x128xf32, #tpu.memory_space<vmem>>, vector<1x16xf32>,
      %get3A_247 = vector.shape_cast %get3A_246 : vector<1x16xf32> to vector<16xf32>
      %add3A_248 = arith.addf %add3A_242, %get3A_247 : vector<16xf32>
      %get3A_249 = arith.constant 15 : i32
      %get3A_250 = arith.index_cast %get3A_249 : i32 to index
      %get3A_251 = arith.constant 16 : index
      %get3A_252 = tpu.vector_load %arg6[%get3A_250, %get3A_251] {strides = array<i32>} : memref<25x128xf32, #tpu.memory_space<vmem>>, vector<1x16xf32>,
      %get3A_253 = vector.shape_cast %get3A_252 : vector<1x16xf32> to vector<16xf32>
      %add3A_254 = arith.addf %add3A_248, %get3A_253 : vector<16xf32>
      %get3A_255 = arith.constant 16 : i32
      %get3A_256 = arith.index_cast %get3A_255 : i32 to index
      %get3A_257 = arith.constant 16 : index
      %get3A_258 = tpu.vector_load %arg6[%get3A_256, %get3A_257] {strides = array<i32>} : memref<25x128xf32, #tpu.memory_space<vmem>>, vector<1x16xf32>,
      %get3A_259 = vector.shape_cast %get3A_258 : vector<1x16xf32> to vector<16xf32>
      %add3A_260 = arith.addf %add3A_254, %get3A_259 : vector<16xf32>
      %get3A_261 = arith.constant 17 : i32
      %get3A_262 = arith.index_cast %get3A_261 : i32 to index
      %get3A_263 = arith.constant 16 : index
      %get3A_264 = tpu.vector_load %arg6[%get3A_262, %get3A_263] {strides = array<i32>} : memref<25x128xf32, #tpu.memory_space<vmem>>, vector<1x16xf32>,
      %get3A_265 = vector.shape_cast %get3A_264 : vector<1x16xf32> to vector<16xf32>
      %add3A_266 = arith.addf %add3A_260, %get3A_265 : vector<16xf32>
      %get3A_267 = arith.constant 18 : i32
      %get3A_268 = arith.index_cast %get3A_267 : i32 to index
      %get3A_269 = arith.constant 16 : index
      %get3A_270 = tpu.vector_load %arg6[%get3A_268, %get3A_269] {strides = array<i32>} : memref<25x128xf32, #tpu.memory_space<vmem>>, vector<1x16xf32>,
      %get3A_271 = vector.shape_cast %get3A_270 : vector<1x16xf32> to vector<16xf32>
      %add3A_272 = arith.addf %add3A_266, %get3A_271 : vector<16xf32>
      %get3A_273 = arith.constant 19 : i32
      %get3A_274 = arith.index_cast %get3A_273 : i32 to index
      %get3A_275 = arith.constant 16 : index
      %get3A_276 = tpu.vector_load %arg6[%get3A_274, %get3A_275] {strides = array<i32>} : memref<25x128xf32, #tpu.memory_space<vmem>>, vector<1x16xf32>,
      %get3A_277 = vector.shape_cast %get3A_276 : vector<1x16xf32> to vector<16xf32>
      %add3A_278 = arith.addf %add3A_272, %get3A_277 : vector<16xf32>
      %get3A_279 = arith.constant 20 : i32
      %get3A_280 = arith.index_cast %get3A_279 : i32 to index
      %get3A_281 = arith.constant 16 : index
      %get3A_282 = tpu.vector_load %arg6[%get3A_280, %get3A_281] {strides = array<i32>} : memref<25x128xf32, #tpu.memory_space<vmem>>, vector<1x16xf32>,
      %get3A_283 = vector.shape_cast %get3A_282 : vector<1x16xf32> to vector<16xf32>
      %add3A_284 = arith.addf %add3A_278, %get3A_283 : vector<16xf32>
      %get3A_285 = arith.constant 21 : i32
      %get3A_286 = arith.index_cast %get3A_285 : i32 to index
      %get3A_287 = arith.constant 16 : index
      %get3A_288 = tpu.vector_load %arg6[%get3A_286, %get3A_287] {strides = array<i32>} : memref<25x128xf32, #tpu.memory_space<vmem>>, vector<1x16xf32>,
      %get3A_289 = vector.shape_cast %get3A_288 : vector<1x16xf32> to vector<16xf32>
      %add3A_290 = arith.addf %add3A_284, %get3A_289 : vector<16xf32>
      %get3A_291 = arith.constant 22 : i32
      %get3A_292 = arith.index_cast %get3A_291 : i32 to index
      %get3A_293 = arith.constant 16 : index
      %get3A_294 = tpu.vector_load %arg6[%get3A_292, %get3A_293] {strides = array<i32>} : memref<25x128xf32, #tpu.memory_space<vmem>>, vector<1x16xf32>,
      %get3A_295 = vector.shape_cast %get3A_294 : vector<1x16xf32> to vector<16xf32>
      %add3A_296 = arith.addf %add3A_290, %get3A_295 : vector<16xf32>
      %get3A_297 = arith.constant 23 : i32
      %get3A_298 = arith.index_cast %get3A_297 : i32 to index
      %get3A_299 = arith.constant 16 : index
      %get3A_300 = tpu.vector_load %arg6[%get3A_298, %get3A_299] {strides = array<i32>} : memref<25x128xf32, #tpu.memory_space<vmem>>, vector<1x16xf32>,
      %get3A_301 = vector.shape_cast %get3A_300 : vector<1x16xf32> to vector<16xf32>
      %add3A_302 = arith.addf %add3A_296, %get3A_301 : vector<16xf32>
      %get3A_303 = arith.constant 24 : i32
      %get3A_304 = arith.index_cast %get3A_303 : i32 to index
      %get3A_305 = arith.constant 16 : index
      %get3A_306 = tpu.vector_load %arg6[%get3A_304, %get3A_305] {strides = array<i32>} : memref<25x128xf32, #tpu.memory_space<vmem>>, vector<1x16xf32>,
      %get3A_307 = vector.shape_cast %get3A_306 : vector<1x16xf32> to vector<16xf32>
      %add3A_308 = arith.addf %add3A_302, %get3A_307 : vector<16xf32>
      %swap3A_309 = arith.constant 16 : index
      %swap3A_310 = tpu.vector_load %arg7[%swap3A_309] {strides = array<i32>} : memref<128xf32, #tpu.memory_space<vmem>>, vector<16xf32>,
      %swap3A_311 = vector.shape_cast %swap3A_310 : vector<16xf32> to vector<16xf32>
      %swap3A_312 = vector.shape_cast %add3A_308 : vector<16xf32> to vector<16xf32>
      tpu.vector_store %arg7[%swap3A_309], %swap3A_312 {strides = array<i32>} : memref<128xf32, #tpu.memory_space<vmem>>, vector<16xf32>,
      %get3A_313 = arith.constant 0 : i32
      %get3A_314 = arith.index_cast %get3A_313 : i32 to index
      %get3A_315 = arith.constant 32 : index
      %get3A_316 = tpu.vector_load %arg6[%get3A_314, %get3A_315] {strides = array<i32>} : memref<25x128xf32, #tpu.memory_space<vmem>>, vector<1x16xf32>,
      %get3A_317 = vector.shape_cast %get3A_316 : vector<1x16xf32> to vector<16xf32>
      %get3A_318 = arith.constant 1 : i32
      %get3A_319 = arith.index_cast %get3A_318 : i32 to index
      %get3A_320 = arith.constant 32 : index
      %get3A_321 = tpu.vector_load %arg6[%get3A_319, %get3A_320] {strides = array<i32>} : memref<25x128xf32, #tpu.memory_space<vmem>>, vector<1x16xf32>,
      %get3A_322 = vector.shape_cast %get3A_321 : vector<1x16xf32> to vector<16xf32>
      %add3A_323 = arith.addf %get3A_317, %get3A_322 : vector<16xf32>
      %get3A_324 = arith.constant 2 : i32
      %get3A_325 = arith.index_cast %get3A_324 : i32 to index
      %get3A_326 = arith.constant 32 : index
      %get3A_327 = tpu.vector_load %arg6[%get3A_325, %get3A_326] {strides = array<i32>} : memref<25x128xf32, #tpu.memory_space<vmem>>, vector<1x16xf32>,
      %get3A_328 = vector.shape_cast %get3A_327 : vector<1x16xf32> to vector<16xf32>
      %add3A_329 = arith.addf %add3A_323, %get3A_328 : vector<16xf32>
      %get3A_330 = arith.constant 3 : i32
      %get3A_331 = arith.index_cast %get3A_330 : i32 to index
      %get3A_332 = arith.constant 32 : index
      %get3A_333 = tpu.vector_load %arg6[%get3A_331, %get3A_332] {strides = array<i32>} : memref<25x128xf32, #tpu.memory_space<vmem>>, vector<1x16xf32>,
      %get3A_334 = vector.shape_cast %get3A_333 : vector<1x16xf32> to vector<16xf32>
      %add3A_335 = arith.addf %add3A_329, %get3A_334 : vector<16xf32>
      %get3A_336 = arith.constant 4 : i32
      %get3A_337 = arith.index_cast %get3A_336 : i32 to index
      %get3A_338 = arith.constant 32 : index
      %get3A_339 = tpu.vector_load %arg6[%get3A_337, %get3A_338] {strides = array<i32>} : memref<25x128xf32, #tpu.memory_space<vmem>>, vector<1x16xf32>,
      %get3A_340 = vector.shape_cast %get3A_339 : vector<1x16xf32> to vector<16xf32>
      %add3A_341 = arith.addf %add3A_335, %get3A_340 : vector<16xf32>
      %get3A_342 = arith.constant 5 : i32
      %get3A_343 = arith.index_cast %get3A_342 : i32 to index
      %get3A_344 = arith.constant 32 : index
      %get3A_345 = tpu.vector_load %arg6[%get3A_343, %get3A_344] {strides = array<i32>} : memref<25x128xf32, #tpu.memory_space<vmem>>, vector<1x16xf32>,
      %get3A_346 = vector.shape_cast %get3A_345 : vector<1x16xf32> to vector<16xf32>
      %add3A_347 = arith.addf %add3A_341, %get3A_346 : vector<16xf32>
      %get3A_348 = arith.constant 6 : i32
      %get3A_349 = arith.index_cast %get3A_348 : i32 to index
      %get3A_350 = arith.constant 32 : index
      %get3A_351 = tpu.vector_load %arg6[%get3A_349, %get3A_350] {strides = array<i32>} : memref<25x128xf32, #tpu.memory_space<vmem>>, vector<1x16xf32>,
      %get3A_352 = vector.shape_cast %get3A_351 : vector<1x16xf32> to vector<16xf32>
      %add3A_353 = arith.addf %add3A_347, %get3A_352 : vector<16xf32>
      %get3A_354 = arith.constant 7 : i32
      %get3A_355 = arith.index_cast %get3A_354 : i32 to index
      %get3A_356 = arith.constant 32 : index
      %get3A_357 = tpu.vector_load %arg6[%get3A_355, %get3A_356] {strides = array<i32>} : memref<25x128xf32, #tpu.memory_space<vmem>>, vector<1x16xf32>,
      %get3A_358 = vector.shape_cast %get3A_357 : vector<1x16xf32> to vector<16xf32>
      %add3A_359 = arith.addf %add3A_353, %get3A_358 : vector<16xf32>
      %get3A_360 = arith.constant 8 : i32
      %get3A_361 = arith.index_cast %get3A_360 : i32 to index
      %get3A_362 = arith.constant 32 : index
      %get3A_363 = tpu.vector_load %arg6[%get3A_361, %get3A_362] {strides = array<i32>} : memref<25x128xf32, #tpu.memory_space<vmem>>, vector<1x16xf32>,
      %get3A_364 = vector.shape_cast %get3A_363 : vector<1x16xf32> to vector<16xf32>
      %add3A_365 = arith.addf %add3A_359, %get3A_364 : vector<16xf32>
      %get3A_366 = arith.constant 9 : i32
      %get3A_367 = arith.index_cast %get3A_366 : i32 to index
      %get3A_368 = arith.constant 32 : index
      %get3A_369 = tpu.vector_load %arg6[%get3A_367, %get3A_368] {strides = array<i32>} : memref<25x128xf32, #tpu.memory_space<vmem>>, vector<1x16xf32>,
      %get3A_370 = vector.shape_cast %get3A_369 : vector<1x16xf32> to vector<16xf32>
      %add3A_371 = arith.addf %add3A_365, %get3A_370 : vector<16xf32>
      %get3A_372 = arith.constant 10 : i32
      %get3A_373 = arith.index_cast %get3A_372 : i32 to index
      %get3A_374 = arith.constant 32 : index
      %get3A_375 = tpu.vector_load %arg6[%get3A_373, %get3A_374] {strides = array<i32>} : memref<25x128xf32, #tpu.memory_space<vmem>>, vector<1x16xf32>,
      %get3A_376 = vector.shape_cast %get3A_375 : vector<1x16xf32> to vector<16xf32>
      %add3A_377 = arith.addf %add3A_371, %get3A_376 : vector<16xf32>
      %get3A_378 = arith.constant 11 : i32
      %get3A_379 = arith.index_cast %get3A_378 : i32 to index
      %get3A_380 = arith.constant 32 : index
      %get3A_381 = tpu.vector_load %arg6[%get3A_379, %get3A_380] {strides = array<i32>} : memref<25x128xf32, #tpu.memory_space<vmem>>, vector<1x16xf32>,
      %get3A_382 = vector.shape_cast %get3A_381 : vector<1x16xf32> to vector<16xf32>
      %add3A_383 = arith.addf %add3A_377, %get3A_382 : vector<16xf32>
      %get3A_384 = arith.constant 12 : i32
      %get3A_385 = arith.index_cast %get3A_384 : i32 to index
      %get3A_386 = arith.constant 32 : index
      %get3A_387 = tpu.vector_load %arg6[%get3A_385, %get3A_386] {strides = array<i32>} : memref<25x128xf32, #tpu.memory_space<vmem>>, vector<1x16xf32>,
      %get3A_388 = vector.shape_cast %get3A_387 : vector<1x16xf32> to vector<16xf32>
      %add3A_389 = arith.addf %add3A_383, %get3A_388 : vector<16xf32>
      %get3A_390 = arith.constant 13 : i32
      %get3A_391 = arith.index_cast %get3A_390 : i32 to index
      %get3A_392 = arith.constant 32 : index
      %get3A_393 = tpu.vector_load %arg6[%get3A_391, %get3A_392] {strides = array<i32>} : memref<25x128xf32, #tpu.memory_space<vmem>>, vector<1x16xf32>,
      %get3A_394 = vector.shape_cast %get3A_393 : vector<1x16xf32> to vector<16xf32>
      %add3A_395 = arith.addf %add3A_389, %get3A_394 : vector<16xf32>
      %get3A_396 = arith.constant 14 : i32
      %get3A_397 = arith.index_cast %get3A_396 : i32 to index
      %get3A_398 = arith.constant 32 : index
      %get3A_399 = tpu.vector_load %arg6[%get3A_397, %get3A_398] {strides = array<i32>} : memref<25x128xf32, #tpu.memory_space<vmem>>, vector<1x16xf32>,
      %get3A_400 = vector.shape_cast %get3A_399 : vector<1x16xf32> to vector<16xf32>
      %add3A_401 = arith.addf %add3A_395, %get3A_400 : vector<16xf32>
      %get3A_402 = arith.constant 15 : i32
      %get3A_403 = arith.index_cast %get3A_402 : i32 to index
      %get3A_404 = arith.constant 32 : index
      %get3A_405 = tpu.vector_load %arg6[%get3A_403, %get3A_404] {strides = array<i32>} : memref<25x128xf32, #tpu.memory_space<vmem>>, vector<1x16xf32>,
      %get3A_406 = vector.shape_cast %get3A_405 : vector<1x16xf32> to vector<16xf32>
      %add3A_407 = arith.addf %add3A_401, %get3A_406 : vector<16xf32>
      %get3A_408 = arith.constant 16 : i32
      %get3A_409 = arith.index_cast %get3A_408 : i32 to index
      %get3A_410 = arith.constant 32 : index
      %get3A_411 = tpu.vector_load %arg6[%get3A_409, %get3A_410] {strides = array<i32>} : memref<25x128xf32, #tpu.memory_space<vmem>>, vector<1x16xf32>,
      %get3A_412 = vector.shape_cast %get3A_411 : vector<1x16xf32> to vector<16xf32>
      %add3A_413 = arith.addf %add3A_407, %get3A_412 : vector<16xf32>
      %get3A_414 = arith.constant 17 : i32
      %get3A_415 = arith.index_cast %get3A_414 : i32 to index
      %get3A_416 = arith.constant 32 : index
      %get3A_417 = tpu.vector_load %arg6[%get3A_415, %get3A_416] {strides = array<i32>} : memref<25x128xf32, #tpu.memory_space<vmem>>, vector<1x16xf32>,
      %get3A_418 = vector.shape_cast %get3A_417 : vector<1x16xf32> to vector<16xf32>
      %add3A_419 = arith.addf %add3A_413, %get3A_418 : vector<16xf32>
      %get3A_420 = arith.constant 18 : i32
      %get3A_421 = arith.index_cast %get3A_420 : i32 to index
      %get3A_422 = arith.constant 32 : index
      %get3A_423 = tpu.vector_load %arg6[%get3A_421, %get3A_422] {strides = array<i32>} : memref<25x128xf32, #tpu.memory_space<vmem>>, vector<1x16xf32>,
      %get3A_424 = vector.shape_cast %get3A_423 : vector<1x16xf32> to vector<16xf32>
      %add3A_425 = arith.addf %add3A_419, %get3A_424 : vector<16xf32>
      %get3A_426 = arith.constant 19 : i32
      %get3A_427 = arith.index_cast %get3A_426 : i32 to index
      %get3A_428 = arith.constant 32 : index
      %get3A_429 = tpu.vector_load %arg6[%get3A_427, %get3A_428] {strides = array<i32>} : memref<25x128xf32, #tpu.memory_space<vmem>>, vector<1x16xf32>,
      %get3A_430 = vector.shape_cast %get3A_429 : vector<1x16xf32> to vector<16xf32>
      %add3A_431 = arith.addf %add3A_425, %get3A_430 : vector<16xf32>
      %get3A_432 = arith.constant 20 : i32
      %get3A_433 = arith.index_cast %get3A_432 : i32 to index
      %get3A_434 = arith.constant 32 : index
      %get3A_435 = tpu.vector_load %arg6[%get3A_433, %get3A_434] {strides = array<i32>} : memref<25x128xf32, #tpu.memory_space<vmem>>, vector<1x16xf32>,
      %get3A_436 = vector.shape_cast %get3A_435 : vector<1x16xf32> to vector<16xf32>
      %add3A_437 = arith.addf %add3A_431, %get3A_436 : vector<16xf32>
      %get3A_438 = arith.constant 21 : i32
      %get3A_439 = arith.index_cast %get3A_438 : i32 to index
      %get3A_440 = arith.constant 32 : index
      %get3A_441 = tpu.vector_load %arg6[%get3A_439, %get3A_440] {strides = array<i32>} : memref<25x128xf32, #tpu.memory_space<vmem>>, vector<1x16xf32>,
      %get3A_442 = vector.shape_cast %get3A_441 : vector<1x16xf32> to vector<16xf32>
      %add3A_443 = arith.addf %add3A_437, %get3A_442 : vector<16xf32>
      %get3A_444 = arith.constant 22 : i32
      %get3A_445 = arith.index_cast %get3A_444 : i32 to index
      %get3A_446 = arith.constant 32 : index
      %get3A_447 = tpu.vector_load %arg6[%get3A_445, %get3A_446] {strides = array<i32>} : memref<25x128xf32, #tpu.memory_space<vmem>>, vector<1x16xf32>,
      %get3A_448 = vector.shape_cast %get3A_447 : vector<1x16xf32> to vector<16xf32>
      %add3A_449 = arith.addf %add3A_443, %get3A_448 : vector<16xf32>
      %get3A_450 = arith.constant 23 : i32
      %get3A_451 = arith.index_cast %get3A_450 : i32 to index
      %get3A_452 = arith.constant 32 : index
      %get3A_453 = tpu.vector_load %arg6[%get3A_451, %get3A_452] {strides = array<i32>} : memref<25x128xf32, #tpu.memory_space<vmem>>, vector<1x16xf32>,
      %get3A_454 = vector.shape_cast %get3A_453 : vector<1x16xf32> to vector<16xf32>
      %add3A_455 = arith.addf %add3A_449, %get3A_454 : vector<16xf32>
      %get3A_456 = arith.constant 24 : i32
      %get3A_457 = arith.index_cast %get3A_456 : i32 to index
      %get3A_458 = arith.constant 32 : index
      %get3A_459 = tpu.vector_load %arg6[%get3A_457, %get3A_458] {strides = array<i32>} : memref<25x128xf32, #tpu.memory_space<vmem>>, vector<1x16xf32>,
      %get3A_460 = vector.shape_cast %get3A_459 : vector<1x16xf32> to vector<16xf32>
      %add3A_461 = arith.addf %add3A_455, %get3A_460 : vector<16xf32>
      %swap3A_462 = arith.constant 32 : index
      %swap3A_463 = tpu.vector_load %arg7[%swap3A_462] {strides = array<i32>} : memref<128xf32, #tpu.memory_space<vmem>>, vector<16xf32>,
      %swap3A_464 = vector.shape_cast %swap3A_463 : vector<16xf32> to vector<16xf32>
      %swap3A_465 = vector.shape_cast %add3A_461 : vector<16xf32> to vector<16xf32>
      tpu.vector_store %arg7[%swap3A_462], %swap3A_465 {strides = array<i32>} : memref<128xf32, #tpu.memory_space<vmem>>, vector<16xf32>,
      %get3A_466 = arith.constant 0 : i32
      %get3A_467 = arith.index_cast %get3A_466 : i32 to index
      %get3A_468 = arith.constant 48 : index
      %get3A_469 = tpu.vector_load %arg6[%get3A_467, %get3A_468] {strides = array<i32>} : memref<25x128xf32, #tpu.memory_space<vmem>>, vector<1x16xf32>,
      %get3A_470 = vector.shape_cast %get3A_469 : vector<1x16xf32> to vector<16xf32>
      %get3A_471 = arith.constant 1 : i32
      %get3A_472 = arith.index_cast %get3A_471 : i32 to index
      %get3A_473 = arith.constant 48 : index
      %get3A_474 = tpu.vector_load %arg6[%get3A_472, %get3A_473] {strides = array<i32>} : memref<25x128xf32, #tpu.memory_space<vmem>>, vector<1x16xf32>,
      %get3A_475 = vector.shape_cast %get3A_474 : vector<1x16xf32> to vector<16xf32>
      %add3A_476 = arith.addf %get3A_470, %get3A_475 : vector<16xf32>
      %get3A_477 = arith.constant 2 : i32
      %get3A_478 = arith.index_cast %get3A_477 : i32 to index
      %get3A_479 = arith.constant 48 : index
      %get3A_480 = tpu.vector_load %arg6[%get3A_478, %get3A_479] {strides = array<i32>} : memref<25x128xf32, #tpu.memory_space<vmem>>, vector<1x16xf32>,
      %get3A_481 = vector.shape_cast %get3A_480 : vector<1x16xf32> to vector<16xf32>
      %add3A_482 = arith.addf %add3A_476, %get3A_481 : vector<16xf32>
      %get3A_483 = arith.constant 3 : i32
      %get3A_484 = arith.index_cast %get3A_483 : i32 to index
      %get3A_485 = arith.constant 48 : index
      %get3A_486 = tpu.vector_load %arg6[%get3A_484, %get3A_485] {strides = array<i32>} : memref<25x128xf32, #tpu.memory_space<vmem>>, vector<1x16xf32>,
      %get3A_487 = vector.shape_cast %get3A_486 : vector<1x16xf32> to vector<16xf32>
      %add3A_488 = arith.addf %add3A_482, %get3A_487 : vector<16xf32>
      %get3A_489 = arith.constant 4 : i32
      %get3A_490 = arith.index_cast %get3A_489 : i32 to index
      %get3A_491 = arith.constant 48 : index
      %get3A_492 = tpu.vector_load %arg6[%get3A_490, %get3A_491] {strides = array<i32>} : memref<25x128xf32, #tpu.memory_space<vmem>>, vector<1x16xf32>,
      %get3A_493 = vector.shape_cast %get3A_492 : vector<1x16xf32> to vector<16xf32>
      %add3A_494 = arith.addf %add3A_488, %get3A_493 : vector<16xf32>
      %get3A_495 = arith.constant 5 : i32
      %get3A_496 = arith.index_cast %get3A_495 : i32 to index
      %get3A_497 = arith.constant 48 : index
      %get3A_498 = tpu.vector_load %arg6[%get3A_496, %get3A_497] {strides = array<i32>} : memref<25x128xf32, #tpu.memory_space<vmem>>, vector<1x16xf32>,
      %get3A_499 = vector.shape_cast %get3A_498 : vector<1x16xf32> to vector<16xf32>
      %add3A_500 = arith.addf %add3A_494, %get3A_499 : vector<16xf32>
      %get3A_501 = arith.constant 6 : i32
      %get3A_502 = arith.index_cast %get3A_501 : i32 to index
      %get3A_503 = arith.constant 48 : index
      %get3A_504 = tpu.vector_load %arg6[%get3A_502, %get3A_503] {strides = array<i32>} : memref<25x128xf32, #tpu.memory_space<vmem>>, vector<1x16xf32>,
      %get3A_505 = vector.shape_cast %get3A_504 : vector<1x16xf32> to vector<16xf32>
      %add3A_506 = arith.addf %add3A_500, %get3A_505 : vector<16xf32>
      %get3A_507 = arith.constant 7 : i32
      %get3A_508 = arith.index_cast %get3A_507 : i32 to index
      %get3A_509 = arith.constant 48 : index
      %get3A_510 = tpu.vector_load %arg6[%get3A_508, %get3A_509] {strides = array<i32>} : memref<25x128xf32, #tpu.memory_space<vmem>>, vector<1x16xf32>,
      %get3A_511 = vector.shape_cast %get3A_510 : vector<1x16xf32> to vector<16xf32>
      %add3A_512 = arith.addf %add3A_506, %get3A_511 : vector<16xf32>
      %get3A_513 = arith.constant 8 : i32
      %get3A_514 = arith.index_cast %get3A_513 : i32 to index
      %get3A_515 = arith.constant 48 : index
      %get3A_516 = tpu.vector_load %arg6[%get3A_514, %get3A_515] {strides = array<i32>} : memref<25x128xf32, #tpu.memory_space<vmem>>, vector<1x16xf32>,
      %get3A_517 = vector.shape_cast %get3A_516 : vector<1x16xf32> to vector<16xf32>
      %add3A_518 = arith.addf %add3A_512, %get3A_517 : vector<16xf32>
      %get3A_519 = arith.constant 9 : i32
      %get3A_520 = arith.index_cast %get3A_519 : i32 to index
      %get3A_521 = arith.constant 48 : index
      %get3A_522 = tpu.vector_load %arg6[%get3A_520, %get3A_521] {strides = array<i32>} : memref<25x128xf32, #tpu.memory_space<vmem>>, vector<1x16xf32>,
      %get3A_523 = vector.shape_cast %get3A_522 : vector<1x16xf32> to vector<16xf32>
      %add3A_524 = arith.addf %add3A_518, %get3A_523 : vector<16xf32>
      %get3A_525 = arith.constant 10 : i32
      %get3A_526 = arith.index_cast %get3A_525 : i32 to index
      %get3A_527 = arith.constant 48 : index
      %get3A_528 = tpu.vector_load %arg6[%get3A_526, %get3A_527] {strides = array<i32>} : memref<25x128xf32, #tpu.memory_space<vmem>>, vector<1x16xf32>,
      %get3A_529 = vector.shape_cast %get3A_528 : vector<1x16xf32> to vector<16xf32>
      %add3A_530 = arith.addf %add3A_524, %get3A_529 : vector<16xf32>
      %get3A_531 = arith.constant 11 : i32
      %get3A_532 = arith.index_cast %get3A_531 : i32 to index
      %get3A_533 = arith.constant 48 : index
      %get3A_534 = tpu.vector_load %arg6[%get3A_532, %get3A_533] {strides = array<i32>} : memref<25x128xf32, #tpu.memory_space<vmem>>, vector<1x16xf32>,
      %get3A_535 = vector.shape_cast %get3A_534 : vector<1x16xf32> to vector<16xf32>
      %add3A_536 = arith.addf %add3A_530, %get3A_535 : vector<16xf32>
      %get3A_537 = arith.constant 12 : i32
      %get3A_538 = arith.index_cast %get3A_537 : i32 to index
      %get3A_539 = arith.constant 48 : index
      %get3A_540 = tpu.vector_load %arg6[%get3A_538, %get3A_539] {strides = array<i32>} : memref<25x128xf32, #tpu.memory_space<vmem>>, vector<1x16xf32>,
      %get3A_541 = vector.shape_cast %get3A_540 : vector<1x16xf32> to vector<16xf32>
      %add3A_542 = arith.addf %add3A_536, %get3A_541 : vector<16xf32>
      %get3A_543 = arith.constant 13 : i32
      %get3A_544 = arith.index_cast %get3A_543 : i32 to index
      %get3A_545 = arith.constant 48 : index
      %get3A_546 = tpu.vector_load %arg6[%get3A_544, %get3A_545] {strides = array<i32>} : memref<25x128xf32, #tpu.memory_space<vmem>>, vector<1x16xf32>,
      %get3A_547 = vector.shape_cast %get3A_546 : vector<1x16xf32> to vector<16xf32>
      %add3A_548 = arith.addf %add3A_542, %get3A_547 : vector<16xf32>
      %get3A_549 = arith.constant 14 : i32
      %get3A_550 = arith.index_cast %get3A_549 : i32 to index
      %get3A_551 = arith.constant 48 : index
      %get3A_552 = tpu.vector_load %arg6[%get3A_550, %get3A_551] {strides = array<i32>} : memref<25x128xf32, #tpu.memory_space<vmem>>, vector<1x16xf32>,
      %get3A_553 = vector.shape_cast %get3A_552 : vector<1x16xf32> to vector<16xf32>
      %add3A_554 = arith.addf %add3A_548, %get3A_553 : vector<16xf32>
      %get3A_555 = arith.constant 15 : i32
      %get3A_556 = arith.index_cast %get3A_555 : i32 to index
      %get3A_557 = arith.constant 48 : index
      %get3A_558 = tpu.vector_load %arg6[%get3A_556, %get3A_557] {strides = array<i32>} : memref<25x128xf32, #tpu.memory_space<vmem>>, vector<1x16xf32>,
      %get3A_559 = vector.shape_cast %get3A_558 : vector<1x16xf32> to vector<16xf32>
      %add3A_560 = arith.addf %add3A_554, %get3A_559 : vector<16xf32>
      %get3A_561 = arith.constant 16 : i32
      %get3A_562 = arith.index_cast %get3A_561 : i32 to index
      %get3A_563 = arith.constant 48 : index
      %get3A_564 = tpu.vector_load %arg6[%get3A_562, %get3A_563] {strides = array<i32>} : memref<25x128xf32, #tpu.memory_space<vmem>>, vector<1x16xf32>,
      %get3A_565 = vector.shape_cast %get3A_564 : vector<1x16xf32> to vector<16xf32>
      %add3A_566 = arith.addf %add3A_560, %get3A_565 : vector<16xf32>
      %get3A_567 = arith.constant 17 : i32
      %get3A_568 = arith.index_cast %get3A_567 : i32 to index
      %get3A_569 = arith.constant 48 : index
      %get3A_570 = tpu.vector_load %arg6[%get3A_568, %get3A_569] {strides = array<i32>} : memref<25x128xf32, #tpu.memory_space<vmem>>, vector<1x16xf32>,
      %get3A_571 = vector.shape_cast %get3A_570 : vector<1x16xf32> to vector<16xf32>
      %add3A_572 = arith.addf %add3A_566, %get3A_571 : vector<16xf32>
      %get3A_573 = arith.constant 18 : i32
      %get3A_574 = arith.index_cast %get3A_573 : i32 to index
      %get3A_575 = arith.constant 48 : index
      %get3A_576 = tpu.vector_load %arg6[%get3A_574, %get3A_575] {strides = array<i32>} : memref<25x128xf32, #tpu.memory_space<vmem>>, vector<1x16xf32>,
      %get3A_577 = vector.shape_cast %get3A_576 : vector<1x16xf32> to vector<16xf32>
      %add3A_578 = arith.addf %add3A_572, %get3A_577 : vector<16xf32>
      %get3A_579 = arith.constant 19 : i32
      %get3A_580 = arith.index_cast %get3A_579 : i32 to index
      %get3A_581 = arith.constant 48 : index
      %get3A_582 = tpu.vector_load %arg6[%get3A_580, %get3A_581] {strides = array<i32>} : memref<25x128xf32, #tpu.memory_space<vmem>>, vector<1x16xf32>,
      %get3A_583 = vector.shape_cast %get3A_582 : vector<1x16xf32> to vector<16xf32>
      %add3A_584 = arith.addf %add3A_578, %get3A_583 : vector<16xf32>
      %get3A_585 = arith.constant 20 : i32
      %get3A_586 = arith.index_cast %get3A_585 : i32 to index
      %get3A_587 = arith.constant 48 : index
      %get3A_588 = tpu.vector_load %arg6[%get3A_586, %get3A_587] {strides = array<i32>} : memref<25x128xf32, #tpu.memory_space<vmem>>, vector<1x16xf32>,
      %get3A_589 = vector.shape_cast %get3A_588 : vector<1x16xf32> to vector<16xf32>
      %add3A_590 = arith.addf %add3A_584, %get3A_589 : vector<16xf32>
      %get3A_591 = arith.constant 21 : i32
      %get3A_592 = arith.index_cast %get3A_591 : i32 to index
      %get3A_593 = arith.constant 48 : index
      %get3A_594 = tpu.vector_load %arg6[%get3A_592, %get3A_593] {strides = array<i32>} : memref<25x128xf32, #tpu.memory_space<vmem>>, vector<1x16xf32>,
      %get3A_595 = vector.shape_cast %get3A_594 : vector<1x16xf32> to vector<16xf32>
      %add3A_596 = arith.addf %add3A_590, %get3A_595 : vector<16xf32>
      %get3A_597 = arith.constant 22 : i32
      %get3A_598 = arith.index_cast %get3A_597 : i32 to index
      %get3A_599 = arith.constant 48 : index
      %get3A_600 = tpu.vector_load %arg6[%get3A_598, %get3A_599] {strides = array<i32>} : memref<25x128xf32, #tpu.memory_space<vmem>>, vector<1x16xf32>,
      %get3A_601 = vector.shape_cast %get3A_600 : vector<1x16xf32> to vector<16xf32>
      %add3A_602 = arith.addf %add3A_596, %get3A_601 : vector<16xf32>
      %get3A_603 = arith.constant 23 : i32
      %get3A_604 = arith.index_cast %get3A_603 : i32 to index
      %get3A_605 = arith.constant 48 : index
      %get3A_606 = tpu.vector_load %arg6[%get3A_604, %get3A_605] {strides = array<i32>} : memref<25x128xf32, #tpu.memory_space<vmem>>, vector<1x16xf32>,
      %get3A_607 = vector.shape_cast %get3A_606 : vector<1x16xf32> to vector<16xf32>
      %add3A_608 = arith.addf %add3A_602, %get3A_607 : vector<16xf32>
      %get3A_609 = arith.constant 24 : i32
      %get3A_610 = arith.index_cast %get3A_609 : i32 to index
      %get3A_611 = arith.constant 48 : index
      %get3A_612 = tpu.vector_load %arg6[%get3A_610, %get3A_611] {strides = array<i32>} : memref<25x128xf32, #tpu.memory_space<vmem>>, vector<1x16xf32>,
      %get3A_613 = vector.shape_cast %get3A_612 : vector<1x16xf32> to vector<16xf32>
      %add3A_614 = arith.addf %add3A_608, %get3A_613 : vector<16xf32>
      %swap3A_615 = arith.constant 48 : index
      %swap3A_616 = tpu.vector_load %arg7[%swap3A_615] {strides = array<i32>} : memref<128xf32, #tpu.memory_space<vmem>>, vector<16xf32>,
      %swap3A_617 = vector.shape_cast %swap3A_616 : vector<16xf32> to vector<16xf32>
      %swap3A_618 = vector.shape_cast %add3A_614 : vector<16xf32> to vector<16xf32>
      tpu.vector_store %arg7[%swap3A_615], %swap3A_618 {strides = array<i32>} : memref<128xf32, #tpu.memory_space<vmem>>, vector<16xf32>,
      %get3A_619 = arith.constant 0 : i32
      %get3A_620 = arith.index_cast %get3A_619 : i32 to index
      %get3A_621 = arith.constant 64 : index
      %get3A_622 = tpu.vector_load %arg6[%get3A_620, %get3A_621] {strides = array<i32>} : memref<25x128xf32, #tpu.memory_space<vmem>>, vector<1x16xf32>,
      %get3A_623 = vector.shape_cast %get3A_622 : vector<1x16xf32> to vector<16xf32>
      %get3A_624 = arith.constant 1 : i32
      %get3A_625 = arith.index_cast %get3A_624 : i32 to index
      %get3A_626 = arith.constant 64 : index
      %get3A_627 = tpu.vector_load %arg6[%get3A_625, %get3A_626] {strides = array<i32>} : memref<25x128xf32, #tpu.memory_space<vmem>>, vector<1x16xf32>,
      %get3A_628 = vector.shape_cast %get3A_627 : vector<1x16xf32> to vector<16xf32>
      %add3A_629 = arith.addf %get3A_623, %get3A_628 : vector<16xf32>
      %get3A_630 = arith.constant 2 : i32
      %get3A_631 = arith.index_cast %get3A_630 : i32 to index
      %get3A_632 = arith.constant 64 : index
      %get3A_633 = tpu.vector_load %arg6[%get3A_631, %get3A_632] {strides = array<i32>} : memref<25x128xf32, #tpu.memory_space<vmem>>, vector<1x16xf32>,
      %get3A_634 = vector.shape_cast %get3A_633 : vector<1x16xf32> to vector<16xf32>
      %add3A_635 = arith.addf %add3A_629, %get3A_634 : vector<16xf32>
      %get3A_636 = arith.constant 3 : i32
      %get3A_637 = arith.index_cast %get3A_636 : i32 to index
      %get3A_638 = arith.constant 64 : index
      %get3A_639 = tpu.vector_load %arg6[%get3A_637, %get3A_638] {strides = array<i32>} : memref<25x128xf32, #tpu.memory_space<vmem>>, vector<1x16xf32>,
      %get3A_640 = vector.shape_cast %get3A_639 : vector<1x16xf32> to vector<16xf32>
      %add3A_641 = arith.addf %add3A_635, %get3A_640 : vector<16xf32>
      %get3A_642 = arith.constant 4 : i32
      %get3A_643 = arith.index_cast %get3A_642 : i32 to index
      %get3A_644 = arith.constant 64 : index
      %get3A_645 = tpu.vector_load %arg6[%get3A_643, %get3A_644] {strides = array<i32>} : memref<25x128xf32, #tpu.memory_space<vmem>>, vector<1x16xf32>,
      %get3A_646 = vector.shape_cast %get3A_645 : vector<1x16xf32> to vector<16xf32>
      %add3A_647 = arith.addf %add3A_641, %get3A_646 : vector<16xf32>
      %get3A_648 = arith.constant 5 : i32
      %get3A_649 = arith.index_cast %get3A_648 : i32 to index
      %get3A_650 = arith.constant 64 : index
      %get3A_651 = tpu.vector_load %arg6[%get3A_649, %get3A_650] {strides = array<i32>} : memref<25x128xf32, #tpu.memory_space<vmem>>, vector<1x16xf32>,
      %get3A_652 = vector.shape_cast %get3A_651 : vector<1x16xf32> to vector<16xf32>
      %add3A_653 = arith.addf %add3A_647, %get3A_652 : vector<16xf32>
      %get3A_654 = arith.constant 6 : i32
      %get3A_655 = arith.index_cast %get3A_654 : i32 to index
      %get3A_656 = arith.constant 64 : index
      %get3A_657 = tpu.vector_load %arg6[%get3A_655, %get3A_656] {strides = array<i32>} : memref<25x128xf32, #tpu.memory_space<vmem>>, vector<1x16xf32>,
      %get3A_658 = vector.shape_cast %get3A_657 : vector<1x16xf32> to vector<16xf32>
      %add3A_659 = arith.addf %add3A_653, %get3A_658 : vector<16xf32>
      %get3A_660 = arith.constant 7 : i32
      %get3A_661 = arith.index_cast %get3A_660 : i32 to index
      %get3A_662 = arith.constant 64 : index
      %get3A_663 = tpu.vector_load %arg6[%get3A_661, %get3A_662] {strides = array<i32>} : memref<25x128xf32, #tpu.memory_space<vmem>>, vector<1x16xf32>,
      %get3A_664 = vector.shape_cast %get3A_663 : vector<1x16xf32> to vector<16xf32>
      %add3A_665 = arith.addf %add3A_659, %get3A_664 : vector<16xf32>
      %get3A_666 = arith.constant 8 : i32
      %get3A_667 = arith.index_cast %get3A_666 : i32 to index
      %get3A_668 = arith.constant 64 : index
      %get3A_669 = tpu.vector_load %arg6[%get3A_667, %get3A_668] {strides = array<i32>} : memref<25x128xf32, #tpu.memory_space<vmem>>, vector<1x16xf32>,
      %get3A_670 = vector.shape_cast %get3A_669 : vector<1x16xf32> to vector<16xf32>
      %add3A_671 = arith.addf %add3A_665, %get3A_670 : vector<16xf32>
      %get3A_672 = arith.constant 9 : i32
      %get3A_673 = arith.index_cast %get3A_672 : i32 to index
      %get3A_674 = arith.constant 64 : index
      %get3A_675 = tpu.vector_load %arg6[%get3A_673, %get3A_674] {strides = array<i32>} : memref<25x128xf32, #tpu.memory_space<vmem>>, vector<1x16xf32>,
      %get3A_676 = vector.shape_cast %get3A_675 : vector<1x16xf32> to vector<16xf32>
      %add3A_677 = arith.addf %add3A_671, %get3A_676 : vector<16xf32>
      %get3A_678 = arith.constant 10 : i32
      %get3A_679 = arith.index_cast %get3A_678 : i32 to index
      %get3A_680 = arith.constant 64 : index
      %get3A_681 = tpu.vector_load %arg6[%get3A_679, %get3A_680] {strides = array<i32>} : memref<25x128xf32, #tpu.memory_space<vmem>>, vector<1x16xf32>,
      %get3A_682 = vector.shape_cast %get3A_681 : vector<1x16xf32> to vector<16xf32>
      %add3A_683 = arith.addf %add3A_677, %get3A_682 : vector<16xf32>
      %get3A_684 = arith.constant 11 : i32
      %get3A_685 = arith.index_cast %get3A_684 : i32 to index
      %get3A_686 = arith.constant 64 : index
      %get3A_687 = tpu.vector_load %arg6[%get3A_685, %get3A_686] {strides = array<i32>} : memref<25x128xf32, #tpu.memory_space<vmem>>, vector<1x16xf32>,
      %get3A_688 = vector.shape_cast %get3A_687 : vector<1x16xf32> to vector<16xf32>
      %add3A_689 = arith.addf %add3A_683, %get3A_688 : vector<16xf32>
      %get3A_690 = arith.constant 12 : i32
      %get3A_691 = arith.index_cast %get3A_690 : i32 to index
      %get3A_692 = arith.constant 64 : index
      %get3A_693 = tpu.vector_load %arg6[%get3A_691, %get3A_692] {strides = array<i32>} : memref<25x128xf32, #tpu.memory_space<vmem>>, vector<1x16xf32>,
      %get3A_694 = vector.shape_cast %get3A_693 : vector<1x16xf32> to vector<16xf32>
      %add3A_695 = arith.addf %add3A_689, %get3A_694 : vector<16xf32>
      %get3A_696 = arith.constant 13 : i32
      %get3A_697 = arith.index_cast %get3A_696 : i32 to index
      %get3A_698 = arith.constant 64 : index
      %get3A_699 = tpu.vector_load %arg6[%get3A_697, %get3A_698] {strides = array<i32>} : memref<25x128xf32, #tpu.memory_space<vmem>>, vector<1x16xf32>,
      %get3A_700 = vector.shape_cast %get3A_699 : vector<1x16xf32> to vector<16xf32>
      %add3A_701 = arith.addf %add3A_695, %get3A_700 : vector<16xf32>
      %get3A_702 = arith.constant 14 : i32
      %get3A_703 = arith.index_cast %get3A_702 : i32 to index
      %get3A_704 = arith.constant 64 : index
      %get3A_705 = tpu.vector_load %arg6[%get3A_703, %get3A_704] {strides = array<i32>} : memref<25x128xf32, #tpu.memory_space<vmem>>, vector<1x16xf32>,
      %get3A_706 = vector.shape_cast %get3A_705 : vector<1x16xf32> to vector<16xf32>
      %add3A_707 = arith.addf %add3A_701, %get3A_706 : vector<16xf32>
      %get3A_708 = arith.constant 15 : i32
      %get3A_709 = arith.index_cast %get3A_708 : i32 to index
      %get3A_710 = arith.constant 64 : index
      %get3A_711 = tpu.vector_load %arg6[%get3A_709, %get3A_710] {strides = array<i32>} : memref<25x128xf32, #tpu.memory_space<vmem>>, vector<1x16xf32>,
      %get3A_712 = vector.shape_cast %get3A_711 : vector<1x16xf32> to vector<16xf32>
      %add3A_713 = arith.addf %add3A_707, %get3A_712 : vector<16xf32>
      %get3A_714 = arith.constant 16 : i32
      %get3A_715 = arith.index_cast %get3A_714 : i32 to index
      %get3A_716 = arith.constant 64 : index
      %get3A_717 = tpu.vector_load %arg6[%get3A_715, %get3A_716] {strides = array<i32>} : memref<25x128xf32, #tpu.memory_space<vmem>>, vector<1x16xf32>,
      %get3A_718 = vector.shape_cast %get3A_717 : vector<1x16xf32> to vector<16xf32>
      %add3A_719 = arith.addf %add3A_713, %get3A_718 : vector<16xf32>
      %get3A_720 = arith.constant 17 : i32
      %get3A_721 = arith.index_cast %get3A_720 : i32 to index
      %get3A_722 = arith.constant 64 : index
      %get3A_723 = tpu.vector_load %arg6[%get3A_721, %get3A_722] {strides = array<i32>} : memref<25x128xf32, #tpu.memory_space<vmem>>, vector<1x16xf32>,
      %get3A_724 = vector.shape_cast %get3A_723 : vector<1x16xf32> to vector<16xf32>
      %add3A_725 = arith.addf %add3A_719, %get3A_724 : vector<16xf32>
      %get3A_726 = arith.constant 18 : i32
      %get3A_727 = arith.index_cast %get3A_726 : i32 to index
      %get3A_728 = arith.constant 64 : index
      %get3A_729 = tpu.vector_load %arg6[%get3A_727, %get3A_728] {strides = array<i32>} : memref<25x128xf32, #tpu.memory_space<vmem>>, vector<1x16xf32>,
      %get3A_730 = vector.shape_cast %get3A_729 : vector<1x16xf32> to vector<16xf32>
      %add3A_731 = arith.addf %add3A_725, %get3A_730 : vector<16xf32>
      %get3A_732 = arith.constant 19 : i32
      %get3A_733 = arith.index_cast %get3A_732 : i32 to index
      %get3A_734 = arith.constant 64 : index
      %get3A_735 = tpu.vector_load %arg6[%get3A_733, %get3A_734] {strides = array<i32>} : memref<25x128xf32, #tpu.memory_space<vmem>>, vector<1x16xf32>,
      %get3A_736 = vector.shape_cast %get3A_735 : vector<1x16xf32> to vector<16xf32>
      %add3A_737 = arith.addf %add3A_731, %get3A_736 : vector<16xf32>
      %get3A_738 = arith.constant 20 : i32
      %get3A_739 = arith.index_cast %get3A_738 : i32 to index
      %get3A_740 = arith.constant 64 : index
      %get3A_741 = tpu.vector_load %arg6[%get3A_739, %get3A_740] {strides = array<i32>} : memref<25x128xf32, #tpu.memory_space<vmem>>, vector<1x16xf32>,
      %get3A_742 = vector.shape_cast %get3A_741 : vector<1x16xf32> to vector<16xf32>
      %add3A_743 = arith.addf %add3A_737, %get3A_742 : vector<16xf32>
      %get3A_744 = arith.constant 21 : i32
      %get3A_745 = arith.index_cast %get3A_744 : i32 to index
      %get3A_746 = arith.constant 64 : index
      %get3A_747 = tpu.vector_load %arg6[%get3A_745, %get3A_746] {strides = array<i32>} : memref<25x128xf32, #tpu.memory_space<vmem>>, vector<1x16xf32>,
      %get3A_748 = vector.shape_cast %get3A_747 : vector<1x16xf32> to vector<16xf32>
      %add3A_749 = arith.addf %add3A_743, %get3A_748 : vector<16xf32>
      %get3A_750 = arith.constant 22 : i32
      %get3A_751 = arith.index_cast %get3A_750 : i32 to index
      %get3A_752 = arith.constant 64 : index
      %get3A_753 = tpu.vector_load %arg6[%get3A_751, %get3A_752] {strides = array<i32>} : memref<25x128xf32, #tpu.memory_space<vmem>>, vector<1x16xf32>,
      %get3A_754 = vector.shape_cast %get3A_753 : vector<1x16xf32> to vector<16xf32>
      %add3A_755 = arith.addf %add3A_749, %get3A_754 : vector<16xf32>
      %get3A_756 = arith.constant 23 : i32
      %get3A_757 = arith.index_cast %get3A_756 : i32 to index
      %get3A_758 = arith.constant 64 : index
      %get3A_759 = tpu.vector_load %arg6[%get3A_757, %get3A_758] {strides = array<i32>} : memref<25x128xf32, #tpu.memory_space<vmem>>, vector<1x16xf32>,
      %get3A_760 = vector.shape_cast %get3A_759 : vector<1x16xf32> to vector<16xf32>
      %add3A_761 = arith.addf %add3A_755, %get3A_760 : vector<16xf32>
      %get3A_762 = arith.constant 24 : i32
      %get3A_763 = arith.index_cast %get3A_762 : i32 to index
      %get3A_764 = arith.constant 64 : index
      %get3A_765 = tpu.vector_load %arg6[%get3A_763, %get3A_764] {strides = array<i32>} : memref<25x128xf32, #tpu.memory_space<vmem>>, vector<1x16xf32>,
      %get3A_766 = vector.shape_cast %get3A_765 : vector<1x16xf32> to vector<16xf32>
      %add3A_767 = arith.addf %add3A_761, %get3A_766 : vector<16xf32>
      %swap3A_768 = arith.constant 64 : index
      %swap3A_769 = tpu.vector_load %arg7[%swap3A_768] {strides = array<i32>} : memref<128xf32, #tpu.memory_space<vmem>>, vector<16xf32>,
      %swap3A_770 = vector.shape_cast %swap3A_769 : vector<16xf32> to vector<16xf32>
      %swap3A_771 = vector.shape_cast %add3A_767 : vector<16xf32> to vector<16xf32>
      tpu.vector_store %arg7[%swap3A_768], %swap3A_771 {strides = array<i32>} : memref<128xf32, #tpu.memory_space<vmem>>, vector<16xf32>,
      %get3A_772 = arith.constant 0 : i32
      %get3A_773 = arith.index_cast %get3A_772 : i32 to index
      %get3A_774 = arith.constant 80 : index
      %get3A_775 = tpu.vector_load %arg6[%get3A_773, %get3A_774] {strides = array<i32>} : memref<25x128xf32, #tpu.memory_space<vmem>>, vector<1x16xf32>,
      %get3A_776 = vector.shape_cast %get3A_775 : vector<1x16xf32> to vector<16xf32>
      %get3A_777 = arith.constant 1 : i32
      %get3A_778 = arith.index_cast %get3A_777 : i32 to index
      %get3A_779 = arith.constant 80 : index
      %get3A_780 = tpu.vector_load %arg6[%get3A_778, %get3A_779] {strides = array<i32>} : memref<25x128xf32, #tpu.memory_space<vmem>>, vector<1x16xf32>,
      %get3A_781 = vector.shape_cast %get3A_780 : vector<1x16xf32> to vector<16xf32>
      %add3A_782 = arith.addf %get3A_776, %get3A_781 : vector<16xf32>
      %get3A_783 = arith.constant 2 : i32
      %get3A_784 = arith.index_cast %get3A_783 : i32 to index
      %get3A_785 = arith.constant 80 : index
      %get3A_786 = tpu.vector_load %arg6[%get3A_784, %get3A_785] {strides = array<i32>} : memref<25x128xf32, #tpu.memory_space<vmem>>, vector<1x16xf32>,
      %get3A_787 = vector.shape_cast %get3A_786 : vector<1x16xf32> to vector<16xf32>
      %add3A_788 = arith.addf %add3A_782, %get3A_787 : vector<16xf32>
      %get3A_789 = arith.constant 3 : i32
      %get3A_790 = arith.index_cast %get3A_789 : i32 to index
      %get3A_791 = arith.constant 80 : index
      %get3A_792 = tpu.vector_load %arg6[%get3A_790, %get3A_791] {strides = array<i32>} : memref<25x128xf32, #tpu.memory_space<vmem>>, vector<1x16xf32>,
      %get3A_793 = vector.shape_cast %get3A_792 : vector<1x16xf32> to vector<16xf32>
      %add3A_794 = arith.addf %add3A_788, %get3A_793 : vector<16xf32>
      %get3A_795 = arith.constant 4 : i32
      %get3A_796 = arith.index_cast %get3A_795 : i32 to index
      %get3A_797 = arith.constant 80 : index
      %get3A_798 = tpu.vector_load %arg6[%get3A_796, %get3A_797] {strides = array<i32>} : memref<25x128xf32, #tpu.memory_space<vmem>>, vector<1x16xf32>,
      %get3A_799 = vector.shape_cast %get3A_798 : vector<1x16xf32> to vector<16xf32>
      %add3A_800 = arith.addf %add3A_794, %get3A_799 : vector<16xf32>
      %get3A_801 = arith.constant 5 : i32
      %get3A_802 = arith.index_cast %get3A_801 : i32 to index
      %get3A_803 = arith.constant 80 : index
      %get3A_804 = tpu.vector_load %arg6[%get3A_802, %get3A_803] {strides = array<i32>} : memref<25x128xf32, #tpu.memory_space<vmem>>, vector<1x16xf32>,
      %get3A_805 = vector.shape_cast %get3A_804 : vector<1x16xf32> to vector<16xf32>
      %add3A_806 = arith.addf %add3A_800, %get3A_805 : vector<16xf32>
      %get3A_807 = arith.constant 6 : i32
      %get3A_808 = arith.index_cast %get3A_807 : i32 to index
      %get3A_809 = arith.constant 80 : index
      %get3A_810 = tpu.vector_load %arg6[%get3A_808, %get3A_809] {strides = array<i32>} : memref<25x128xf32, #tpu.memory_space<vmem>>, vector<1x16xf32>,
      %get3A_811 = vector.shape_cast %get3A_810 : vector<1x16xf32> to vector<16xf32>
      %add3A_812 = arith.addf %add3A_806, %get3A_811 : vector<16xf32>
      %get3A_813 = arith.constant 7 : i32
      %get3A_814 = arith.index_cast %get3A_813 : i32 to index
      %get3A_815 = arith.constant 80 : index
      %get3A_816 = tpu.vector_load %arg6[%get3A_814, %get3A_815] {strides = array<i32>} : memref<25x128xf32, #tpu.memory_space<vmem>>, vector<1x16xf32>,
      %get3A_817 = vector.shape_cast %get3A_816 : vector<1x16xf32> to vector<16xf32>
      %add3A_818 = arith.addf %add3A_812, %get3A_817 : vector<16xf32>
      %get3A_819 = arith.constant 8 : i32
      %get3A_820 = arith.index_cast %get3A_819 : i32 to index
      %get3A_821 = arith.constant 80 : index
      %get3A_822 = tpu.vector_load %arg6[%get3A_820, %get3A_821] {strides = array<i32>} : memref<25x128xf32, #tpu.memory_space<vmem>>, vector<1x16xf32>,
      %get3A_823 = vector.shape_cast %get3A_822 : vector<1x16xf32> to vector<16xf32>
      %add3A_824 = arith.addf %add3A_818, %get3A_823 : vector<16xf32>
      %get3A_825 = arith.constant 9 : i32
      %get3A_826 = arith.index_cast %get3A_825 : i32 to index
      %get3A_827 = arith.constant 80 : index
      %get3A_828 = tpu.vector_load %arg6[%get3A_826, %get3A_827] {strides = array<i32>} : memref<25x128xf32, #tpu.memory_space<vmem>>, vector<1x16xf32>,
      %get3A_829 = vector.shape_cast %get3A_828 : vector<1x16xf32> to vector<16xf32>
      %add3A_830 = arith.addf %add3A_824, %get3A_829 : vector<16xf32>
      %get3A_831 = arith.constant 10 : i32
      %get3A_832 = arith.index_cast %get3A_831 : i32 to index
      %get3A_833 = arith.constant 80 : index
      %get3A_834 = tpu.vector_load %arg6[%get3A_832, %get3A_833] {strides = array<i32>} : memref<25x128xf32, #tpu.memory_space<vmem>>, vector<1x16xf32>,
      %get3A_835 = vector.shape_cast %get3A_834 : vector<1x16xf32> to vector<16xf32>
      %add3A_836 = arith.addf %add3A_830, %get3A_835 : vector<16xf32>
      %get3A_837 = arith.constant 11 : i32
      %get3A_838 = arith.index_cast %get3A_837 : i32 to index
      %get3A_839 = arith.constant 80 : index
      %get3A_840 = tpu.vector_load %arg6[%get3A_838, %get3A_839] {strides = array<i32>} : memref<25x128xf32, #tpu.memory_space<vmem>>, vector<1x16xf32>,
      %get3A_841 = vector.shape_cast %get3A_840 : vector<1x16xf32> to vector<16xf32>
      %add3A_842 = arith.addf %add3A_836, %get3A_841 : vector<16xf32>
      %get3A_843 = arith.constant 12 : i32
      %get3A_844 = arith.index_cast %get3A_843 : i32 to index
      %get3A_845 = arith.constant 80 : index
      %get3A_846 = tpu.vector_load %arg6[%get3A_844, %get3A_845] {strides = array<i32>} : memref<25x128xf32, #tpu.memory_space<vmem>>, vector<1x16xf32>,
      %get3A_847 = vector.shape_cast %get3A_846 : vector<1x16xf32> to vector<16xf32>
      %add3A_848 = arith.addf %add3A_842, %get3A_847 : vector<16xf32>
      %get3A_849 = arith.constant 13 : i32
      %get3A_850 = arith.index_cast %get3A_849 : i32 to index
      %get3A_851 = arith.constant 80 : index
      %get3A_852 = tpu.vector_load %arg6[%get3A_850, %get3A_851] {strides = array<i32>} : memref<25x128xf32, #tpu.memory_space<vmem>>, vector<1x16xf32>,
      %get3A_853 = vector.shape_cast %get3A_852 : vector<1x16xf32> to vector<16xf32>
      %add3A_854 = arith.addf %add3A_848, %get3A_853 : vector<16xf32>
      %get3A_855 = arith.constant 14 : i32
      %get3A_856 = arith.index_cast %get3A_855 : i32 to index
      %get3A_857 = arith.constant 80 : index
      %get3A_858 = tpu.vector_load %arg6[%get3A_856, %get3A_857] {strides = array<i32>} : memref<25x128xf32, #tpu.memory_space<vmem>>, vector<1x16xf32>,
      %get3A_859 = vector.shape_cast %get3A_858 : vector<1x16xf32> to vector<16xf32>
      %add3A_860 = arith.addf %add3A_854, %get3A_859 : vector<16xf32>
      %get3A_861 = arith.constant 15 : i32
      %get3A_862 = arith.index_cast %get3A_861 : i32 to index
      %get3A_863 = arith.constant 80 : index
      %get3A_864 = tpu.vector_load %arg6[%get3A_862, %get3A_863] {strides = array<i32>} : memref<25x128xf32, #tpu.memory_space<vmem>>, vector<1x16xf32>,
      %get3A_865 = vector.shape_cast %get3A_864 : vector<1x16xf32> to vector<16xf32>
      %add3A_866 = arith.addf %add3A_860, %get3A_865 : vector<16xf32>
      %get3A_867 = arith.constant 16 : i32
      %get3A_868 = arith.index_cast %get3A_867 : i32 to index
      %get3A_869 = arith.constant 80 : index
      %get3A_870 = tpu.vector_load %arg6[%get3A_868, %get3A_869] {strides = array<i32>} : memref<25x128xf32, #tpu.memory_space<vmem>>, vector<1x16xf32>,
      %get3A_871 = vector.shape_cast %get3A_870 : vector<1x16xf32> to vector<16xf32>
      %add3A_872 = arith.addf %add3A_866, %get3A_871 : vector<16xf32>
      %get3A_873 = arith.constant 17 : i32
      %get3A_874 = arith.index_cast %get3A_873 : i32 to index
      %get3A_875 = arith.constant 80 : index
      %get3A_876 = tpu.vector_load %arg6[%get3A_874, %get3A_875] {strides = array<i32>} : memref<25x128xf32, #tpu.memory_space<vmem>>, vector<1x16xf32>,
      %get3A_877 = vector.shape_cast %get3A_876 : vector<1x16xf32> to vector<16xf32>
      %add3A_878 = arith.addf %add3A_872, %get3A_877 : vector<16xf32>
      %get3A_879 = arith.constant 18 : i32
      %get3A_880 = arith.index_cast %get3A_879 : i32 to index
      %get3A_881 = arith.constant 80 : index
      %get3A_882 = tpu.vector_load %arg6[%get3A_880, %get3A_881] {strides = array<i32>} : memref<25x128xf32, #tpu.memory_space<vmem>>, vector<1x16xf32>,
      %get3A_883 = vector.shape_cast %get3A_882 : vector<1x16xf32> to vector<16xf32>
      %add3A_884 = arith.addf %add3A_878, %get3A_883 : vector<16xf32>
      %get3A_885 = arith.constant 19 : i32
      %get3A_886 = arith.index_cast %get3A_885 : i32 to index
      %get3A_887 = arith.constant 80 : index
      %get3A_888 = tpu.vector_load %arg6[%get3A_886, %get3A_887] {strides = array<i32>} : memref<25x128xf32, #tpu.memory_space<vmem>>, vector<1x16xf32>,
      %get3A_889 = vector.shape_cast %get3A_888 : vector<1x16xf32> to vector<16xf32>
      %add3A_890 = arith.addf %add3A_884, %get3A_889 : vector<16xf32>
      %get3A_891 = arith.constant 20 : i32
      %get3A_892 = arith.index_cast %get3A_891 : i32 to index
      %get3A_893 = arith.constant 80 : index
      %get3A_894 = tpu.vector_load %arg6[%get3A_892, %get3A_893] {strides = array<i32>} : memref<25x128xf32, #tpu.memory_space<vmem>>, vector<1x16xf32>,
      %get3A_895 = vector.shape_cast %get3A_894 : vector<1x16xf32> to vector<16xf32>
      %add3A_896 = arith.addf %add3A_890, %get3A_895 : vector<16xf32>
      %get3A_897 = arith.constant 21 : i32
      %get3A_898 = arith.index_cast %get3A_897 : i32 to index
      %get3A_899 = arith.constant 80 : index
      %get3A_900 = tpu.vector_load %arg6[%get3A_898, %get3A_899] {strides = array<i32>} : memref<25x128xf32, #tpu.memory_space<vmem>>, vector<1x16xf32>,
      %get3A_901 = vector.shape_cast %get3A_900 : vector<1x16xf32> to vector<16xf32>
      %add3A_902 = arith.addf %add3A_896, %get3A_901 : vector<16xf32>
      %get3A_903 = arith.constant 22 : i32
      %get3A_904 = arith.index_cast %get3A_903 : i32 to index
      %get3A_905 = arith.constant 80 : index
      %get3A_906 = tpu.vector_load %arg6[%get3A_904, %get3A_905] {strides = array<i32>} : memref<25x128xf32, #tpu.memory_space<vmem>>, vector<1x16xf32>,
      %get3A_907 = vector.shape_cast %get3A_906 : vector<1x16xf32> to vector<16xf32>
      %add3A_908 = arith.addf %add3A_902, %get3A_907 : vector<16xf32>
      %get3A_909 = arith.constant 23 : i32
      %get3A_910 = arith.index_cast %get3A_909 : i32 to index
      %get3A_911 = arith.constant 80 : index
      %get3A_912 = tpu.vector_load %arg6[%get3A_910, %get3A_911] {strides = array<i32>} : memref<25x128xf32, #tpu.memory_space<vmem>>, vector<1x16xf32>,
      %get3A_913 = vector.shape_cast %get3A_912 : vector<1x16xf32> to vector<16xf32>
      %add3A_914 = arith.addf %add3A_908, %get3A_913 : vector<16xf32>
      %get3A_915 = arith.constant 24 : i32
      %get3A_916 = arith.index_cast %get3A_915 : i32 to index
      %get3A_917 = arith.constant 80 : index
      %get3A_918 = tpu.vector_load %arg6[%get3A_916, %get3A_917] {strides = array<i32>} : memref<25x128xf32, #tpu.memory_space<vmem>>, vector<1x16xf32>,
      %get3A_919 = vector.shape_cast %get3A_918 : vector<1x16xf32> to vector<16xf32>
      %add3A_920 = arith.addf %add3A_914, %get3A_919 : vector<16xf32>
      %swap3A_921 = arith.constant 80 : index
      %swap3A_922 = tpu.vector_load %arg7[%swap3A_921] {strides = array<i32>} : memref<128xf32, #tpu.memory_space<vmem>>, vector<16xf32>,
      %swap3A_923 = vector.shape_cast %swap3A_922 : vector<16xf32> to vector<16xf32>
      %swap3A_924 = vector.shape_cast %add3A_920 : vector<16xf32> to vector<16xf32>
      tpu.vector_store %arg7[%swap3A_921], %swap3A_924 {strides = array<i32>} : memref<128xf32, #tpu.memory_space<vmem>>, vector<16xf32>,
      %get3A_925 = arith.constant 0 : i32
      %get3A_926 = arith.index_cast %get3A_925 : i32 to index
      %get3A_927 = arith.constant 96 : index
      %get3A_928 = tpu.vector_load %arg6[%get3A_926, %get3A_927] {strides = array<i32>} : memref<25x128xf32, #tpu.memory_space<vmem>>, vector<1x16xf32>,
      %get3A_929 = vector.shape_cast %get3A_928 : vector<1x16xf32> to vector<16xf32>
      %get3A_930 = arith.constant 1 : i32
      %get3A_931 = arith.index_cast %get3A_930 : i32 to index
      %get3A_932 = arith.constant 96 : index
      %get3A_933 = tpu.vector_load %arg6[%get3A_931, %get3A_932] {strides = array<i32>} : memref<25x128xf32, #tpu.memory_space<vmem>>, vector<1x16xf32>,
      %get3A_934 = vector.shape_cast %get3A_933 : vector<1x16xf32> to vector<16xf32>
      %add3A_935 = arith.addf %get3A_929, %get3A_934 : vector<16xf32>
      %get3A_936 = arith.constant 2 : i32
      %get3A_937 = arith.index_cast %get3A_936 : i32 to index
      %get3A_938 = arith.constant 96 : index
      %get3A_939 = tpu.vector_load %arg6[%get3A_937, %get3A_938] {strides = array<i32>} : memref<25x128xf32, #tpu.memory_space<vmem>>, vector<1x16xf32>,
      %get3A_940 = vector.shape_cast %get3A_939 : vector<1x16xf32> to vector<16xf32>
      %add3A_941 = arith.addf %add3A_935, %get3A_940 : vector<16xf32>
      %get3A_942 = arith.constant 3 : i32
      %get3A_943 = arith.index_cast %get3A_942 : i32 to index
      %get3A_944 = arith.constant 96 : index
      %get3A_945 = tpu.vector_load %arg6[%get3A_943, %get3A_944] {strides = array<i32>} : memref<25x128xf32, #tpu.memory_space<vmem>>, vector<1x16xf32>,
      %get3A_946 = vector.shape_cast %get3A_945 : vector<1x16xf32> to vector<16xf32>
      %add3A_947 = arith.addf %add3A_941, %get3A_946 : vector<16xf32>
      %get3A_948 = arith.constant 4 : i32
      %get3A_949 = arith.index_cast %get3A_948 : i32 to index
      %get3A_950 = arith.constant 96 : index
      %get3A_951 = tpu.vector_load %arg6[%get3A_949, %get3A_950] {strides = array<i32>} : memref<25x128xf32, #tpu.memory_space<vmem>>, vector<1x16xf32>,
      %get3A_952 = vector.shape_cast %get3A_951 : vector<1x16xf32> to vector<16xf32>
      %add3A_953 = arith.addf %add3A_947, %get3A_952 : vector<16xf32>
      %get3A_954 = arith.constant 5 : i32
      %get3A_955 = arith.index_cast %get3A_954 : i32 to index
      %get3A_956 = arith.constant 96 : index
      %get3A_957 = tpu.vector_load %arg6[%get3A_955, %get3A_956] {strides = array<i32>} : memref<25x128xf32, #tpu.memory_space<vmem>>, vector<1x16xf32>,
      %get3A_958 = vector.shape_cast %get3A_957 : vector<1x16xf32> to vector<16xf32>
      %add3A_959 = arith.addf %add3A_953, %get3A_958 : vector<16xf32>
      %get3A_960 = arith.constant 6 : i32
      %get3A_961 = arith.index_cast %get3A_960 : i32 to index
      %get3A_962 = arith.constant 96 : index
      %get3A_963 = tpu.vector_load %arg6[%get3A_961, %get3A_962] {strides = array<i32>} : memref<25x128xf32, #tpu.memory_space<vmem>>, vector<1x16xf32>,
      %get3A_964 = vector.shape_cast %get3A_963 : vector<1x16xf32> to vector<16xf32>
      %add3A_965 = arith.addf %add3A_959, %get3A_964 : vector<16xf32>
      %get3A_966 = arith.constant 7 : i32
      %get3A_967 = arith.index_cast %get3A_966 : i32 to index
      %get3A_968 = arith.constant 96 : index
      %get3A_969 = tpu.vector_load %arg6[%get3A_967, %get3A_968] {strides = array<i32>} : memref<25x128xf32, #tpu.memory_space<vmem>>, vector<1x16xf32>,
      %get3A_970 = vector.shape_cast %get3A_969 : vector<1x16xf32> to vector<16xf32>
      %add3A_971 = arith.addf %add3A_965, %get3A_970 : vector<16xf32>
      %get3A_972 = arith.constant 8 : i32
      %get3A_973 = arith.index_cast %get3A_972 : i32 to index
      %get3A_974 = arith.constant 96 : index
      %get3A_975 = tpu.vector_load %arg6[%get3A_973, %get3A_974] {strides = array<i32>} : memref<25x128xf32, #tpu.memory_space<vmem>>, vector<1x16xf32>,
      %get3A_976 = vector.shape_cast %get3A_975 : vector<1x16xf32> to vector<16xf32>
      %add3A_977 = arith.addf %add3A_971, %get3A_976 : vector<16xf32>
      %get3A_978 = arith.constant 9 : i32
      %get3A_979 = arith.index_cast %get3A_978 : i32 to index
      %get3A_980 = arith.constant 96 : index
      %get3A_981 = tpu.vector_load %arg6[%get3A_979, %get3A_980] {strides = array<i32>} : memref<25x128xf32, #tpu.memory_space<vmem>>, vector<1x16xf32>,
      %get3A_982 = vector.shape_cast %get3A_981 : vector<1x16xf32> to vector<16xf32>
      %add3A_983 = arith.addf %add3A_977, %get3A_982 : vector<16xf32>
      %get3A_984 = arith.constant 10 : i32
      %get3A_985 = arith.index_cast %get3A_984 : i32 to index
      %get3A_986 = arith.constant 96 : index
      %get3A_987 = tpu.vector_load %arg6[%get3A_985, %get3A_986] {strides = array<i32>} : memref<25x128xf32, #tpu.memory_space<vmem>>, vector<1x16xf32>,
      %get3A_988 = vector.shape_cast %get3A_987 : vector<1x16xf32> to vector<16xf32>
      %add3A_989 = arith.addf %add3A_983, %get3A_988 : vector<16xf32>
      %get3A_990 = arith.constant 11 : i32
      %get3A_991 = arith.index_cast %get3A_990 : i32 to index
      %get3A_992 = arith.constant 96 : index
      %get3A_993 = tpu.vector_load %arg6[%get3A_991, %get3A_992] {strides = array<i32>} : memref<25x128xf32, #tpu.memory_space<vmem>>, vector<1x16xf32>,
      %get3A_994 = vector.shape_cast %get3A_993 : vector<1x16xf32> to vector<16xf32>
      %add3A_995 = arith.addf %add3A_989, %get3A_994 : vector<16xf32>
      %get3A_996 = arith.constant 12 : i32
      %get3A_997 = arith.index_cast %get3A_996 : i32 to index
      %get3A_998 = arith.constant 96 : index
      %get3A_999 = tpu.vector_load %arg6[%get3A_997, %get3A_998] {strides = array<i32>} : memref<25x128xf32, #tpu.memory_space<vmem>>, vector<1x16xf32>,
      %get3A_1000 = vector.shape_cast %get3A_999 : vector<1x16xf32> to vector<16xf32>
      %add3A_1001 = arith.addf %add3A_995, %get3A_1000 : vector<16xf32>
      %get3A_1002 = arith.constant 13 : i32
      %get3A_1003 = arith.index_cast %get3A_1002 : i32 to index
      %get3A_1004 = arith.constant 96 : index
      %get3A_1005 = tpu.vector_load %arg6[%get3A_1003, %get3A_1004] {strides = array<i32>} : memref<25x128xf32, #tpu.memory_space<vmem>>, vector<1x16xf32>,
      %get3A_1006 = vector.shape_cast %get3A_1005 : vector<1x16xf32> to vector<16xf32>
      %add3A_1007 = arith.addf %add3A_1001, %get3A_1006 : vector<16xf32>
      %get3A_1008 = arith.constant 14 : i32
      %get3A_1009 = arith.index_cast %get3A_1008 : i32 to index
      %get3A_1010 = arith.constant 96 : index
      %get3A_1011 = tpu.vector_load %arg6[%get3A_1009, %get3A_1010] {strides = array<i32>} : memref<25x128xf32, #tpu.memory_space<vmem>>, vector<1x16xf32>,
      %get3A_1012 = vector.shape_cast %get3A_1011 : vector<1x16xf32> to vector<16xf32>
      %add3A_1013 = arith.addf %add3A_1007, %get3A_1012 : vector<16xf32>
      %get3A_1014 = arith.constant 15 : i32
      %get3A_1015 = arith.index_cast %get3A_1014 : i32 to index
      %get3A_1016 = arith.constant 96 : index
      %get3A_1017 = tpu.vector_load %arg6[%get3A_1015, %get3A_1016] {strides = array<i32>} : memref<25x128xf32, #tpu.memory_space<vmem>>, vector<1x16xf32>,
      %get3A_1018 = vector.shape_cast %get3A_1017 : vector<1x16xf32> to vector<16xf32>
      %add3A_1019 = arith.addf %add3A_1013, %get3A_1018 : vector<16xf32>
      %get3A_1020 = arith.constant 16 : i32
      %get3A_1021 = arith.index_cast %get3A_1020 : i32 to index
      %get3A_1022 = arith.constant 96 : index
      %get3A_1023 = tpu.vector_load %arg6[%get3A_1021, %get3A_1022] {strides = array<i32>} : memref<25x128xf32, #tpu.memory_space<vmem>>, vector<1x16xf32>,
      %get3A_1024 = vector.shape_cast %get3A_1023 : vector<1x16xf32> to vector<16xf32>
      %add3A_1025 = arith.addf %add3A_1019, %get3A_1024 : vector<16xf32>
      %get3A_1026 = arith.constant 17 : i32
      %get3A_1027 = arith.index_cast %get3A_1026 : i32 to index
      %get3A_1028 = arith.constant 96 : index
      %get3A_1029 = tpu.vector_load %arg6[%get3A_1027, %get3A_1028] {strides = array<i32>} : memref<25x128xf32, #tpu.memory_space<vmem>>, vector<1x16xf32>,
      %get3A_1030 = vector.shape_cast %get3A_1029 : vector<1x16xf32> to vector<16xf32>
      %add3A_1031 = arith.addf %add3A_1025, %get3A_1030 : vector<16xf32>
      %get3A_1032 = arith.constant 18 : i32
      %get3A_1033 = arith.index_cast %get3A_1032 : i32 to index
      %get3A_1034 = arith.constant 96 : index
      %get3A_1035 = tpu.vector_load %arg6[%get3A_1033, %get3A_1034] {strides = array<i32>} : memref<25x128xf32, #tpu.memory_space<vmem>>, vector<1x16xf32>,
      %get3A_1036 = vector.shape_cast %get3A_1035 : vector<1x16xf32> to vector<16xf32>
      %add3A_1037 = arith.addf %add3A_1031, %get3A_1036 : vector<16xf32>
      %get3A_1038 = arith.constant 19 : i32
      %get3A_1039 = arith.index_cast %get3A_1038 : i32 to index
      %get3A_1040 = arith.constant 96 : index
      %get3A_1041 = tpu.vector_load %arg6[%get3A_1039, %get3A_1040] {strides = array<i32>} : memref<25x128xf32, #tpu.memory_space<vmem>>, vector<1x16xf32>,
      %get3A_1042 = vector.shape_cast %get3A_1041 : vector<1x16xf32> to vector<16xf32>
      %add3A_1043 = arith.addf %add3A_1037, %get3A_1042 : vector<16xf32>
      %get3A_1044 = arith.constant 20 : i32
      %get3A_1045 = arith.index_cast %get3A_1044 : i32 to index
      %get3A_1046 = arith.constant 96 : index
      %get3A_1047 = tpu.vector_load %arg6[%get3A_1045, %get3A_1046] {strides = array<i32>} : memref<25x128xf32, #tpu.memory_space<vmem>>, vector<1x16xf32>,
      %get3A_1048 = vector.shape_cast %get3A_1047 : vector<1x16xf32> to vector<16xf32>
      %add3A_1049 = arith.addf %add3A_1043, %get3A_1048 : vector<16xf32>
      %get3A_1050 = arith.constant 21 : i32
      %get3A_1051 = arith.index_cast %get3A_1050 : i32 to index
      %get3A_1052 = arith.constant 96 : index
      %get3A_1053 = tpu.vector_load %arg6[%get3A_1051, %get3A_1052] {strides = array<i32>} : memref<25x128xf32, #tpu.memory_space<vmem>>, vector<1x16xf32>,
      %get3A_1054 = vector.shape_cast %get3A_1053 : vector<1x16xf32> to vector<16xf32>
      %add3A_1055 = arith.addf %add3A_1049, %get3A_1054 : vector<16xf32>
      %get3A_1056 = arith.constant 22 : i32
      %get3A_1057 = arith.index_cast %get3A_1056 : i32 to index
      %get3A_1058 = arith.constant 96 : index
      %get3A_1059 = tpu.vector_load %arg6[%get3A_1057, %get3A_1058] {strides = array<i32>} : memref<25x128xf32, #tpu.memory_space<vmem>>, vector<1x16xf32>,
      %get3A_1060 = vector.shape_cast %get3A_1059 : vector<1x16xf32> to vector<16xf32>
      %add3A_1061 = arith.addf %add3A_1055, %get3A_1060 : vector<16xf32>
      %get3A_1062 = arith.constant 23 : i32
      %get3A_1063 = arith.index_cast %get3A_1062 : i32 to index
      %get3A_1064 = arith.constant 96 : index
      %get3A_1065 = tpu.vector_load %arg6[%get3A_1063, %get3A_1064] {strides = array<i32>} : memref<25x128xf32, #tpu.memory_space<vmem>>, vector<1x16xf32>,
      %get3A_1066 = vector.shape_cast %get3A_1065 : vector<1x16xf32> to vector<16xf32>
      %add3A_1067 = arith.addf %add3A_1061, %get3A_1066 : vector<16xf32>
      %get3A_1068 = arith.constant 24 : i32
      %get3A_1069 = arith.index_cast %get3A_1068 : i32 to index
      %get3A_1070 = arith.constant 96 : index
      %get3A_1071 = tpu.vector_load %arg6[%get3A_1069, %get3A_1070] {strides = array<i32>} : memref<25x128xf32, #tpu.memory_space<vmem>>, vector<1x16xf32>,
      %get3A_1072 = vector.shape_cast %get3A_1071 : vector<1x16xf32> to vector<16xf32>
      %add3A_1073 = arith.addf %add3A_1067, %get3A_1072 : vector<16xf32>
      %swap3A_1074 = arith.constant 96 : index
      %swap3A_1075 = tpu.vector_load %arg7[%swap3A_1074] {strides = array<i32>} : memref<128xf32, #tpu.memory_space<vmem>>, vector<16xf32>,
      %swap3A_1076 = vector.shape_cast %swap3A_1075 : vector<16xf32> to vector<16xf32>
      %swap3A_1077 = vector.shape_cast %add3A_1073 : vector<16xf32> to vector<16xf32>
      tpu.vector_store %arg7[%swap3A_1074], %swap3A_1077 {strides = array<i32>} : memref<128xf32, #tpu.memory_space<vmem>>, vector<16xf32>,
      %get3A_1078 = arith.constant 0 : i32
      %get3A_1079 = arith.index_cast %get3A_1078 : i32 to index
      %get3A_1080 = arith.constant 112 : index
      %get3A_1081 = tpu.vector_load %arg6[%get3A_1079, %get3A_1080] {strides = array<i32>} : memref<25x128xf32, #tpu.memory_space<vmem>>, vector<1x16xf32>,
      %get3A_1082 = vector.shape_cast %get3A_1081 : vector<1x16xf32> to vector<16xf32>
      %get3A_1083 = arith.constant 1 : i32
      %get3A_1084 = arith.index_cast %get3A_1083 : i32 to index
      %get3A_1085 = arith.constant 112 : index
      %get3A_1086 = tpu.vector_load %arg6[%get3A_1084, %get3A_1085] {strides = array<i32>} : memref<25x128xf32, #tpu.memory_space<vmem>>, vector<1x16xf32>,
      %get3A_1087 = vector.shape_cast %get3A_1086 : vector<1x16xf32> to vector<16xf32>
      %add3A_1088 = arith.addf %get3A_1082, %get3A_1087 : vector<16xf32>
      %get3A_1089 = arith.constant 2 : i32
      %get3A_1090 = arith.index_cast %get3A_1089 : i32 to index
      %get3A_1091 = arith.constant 112 : index
      %get3A_1092 = tpu.vector_load %arg6[%get3A_1090, %get3A_1091] {strides = array<i32>} : memref<25x128xf32, #tpu.memory_space<vmem>>, vector<1x16xf32>,
      %get3A_1093 = vector.shape_cast %get3A_1092 : vector<1x16xf32> to vector<16xf32>
      %add3A_1094 = arith.addf %add3A_1088, %get3A_1093 : vector<16xf32>
      %get3A_1095 = arith.constant 3 : i32
      %get3A_1096 = arith.index_cast %get3A_1095 : i32 to index
      %get3A_1097 = arith.constant 112 : index
      %get3A_1098 = tpu.vector_load %arg6[%get3A_1096, %get3A_1097] {strides = array<i32>} : memref<25x128xf32, #tpu.memory_space<vmem>>, vector<1x16xf32>,
      %get3A_1099 = vector.shape_cast %get3A_1098 : vector<1x16xf32> to vector<16xf32>
      %add3A_1100 = arith.addf %add3A_1094, %get3A_1099 : vector<16xf32>
      %get3A_1101 = arith.constant 4 : i32
      %get3A_1102 = arith.index_cast %get3A_1101 : i32 to index
      %get3A_1103 = arith.constant 112 : index
      %get3A_1104 = tpu.vector_load %arg6[%get3A_1102, %get3A_1103] {strides = array<i32>} : memref<25x128xf32, #tpu.memory_space<vmem>>, vector<1x16xf32>,
      %get3A_1105 = vector.shape_cast %get3A_1104 : vector<1x16xf32> to vector<16xf32>
      %add3A_1106 = arith.addf %add3A_1100, %get3A_1105 : vector<16xf32>
      %get3A_1107 = arith.constant 5 : i32
      %get3A_1108 = arith.index_cast %get3A_1107 : i32 to index
      %get3A_1109 = arith.constant 112 : index
      %get3A_1110 = tpu.vector_load %arg6[%get3A_1108, %get3A_1109] {strides = array<i32>} : memref<25x128xf32, #tpu.memory_space<vmem>>, vector<1x16xf32>,
      %get3A_1111 = vector.shape_cast %get3A_1110 : vector<1x16xf32> to vector<16xf32>
      %add3A_1112 = arith.addf %add3A_1106, %get3A_1111 : vector<16xf32>
      %get3A_1113 = arith.constant 6 : i32
      %get3A_1114 = arith.index_cast %get3A_1113 : i32 to index
      %get3A_1115 = arith.constant 112 : index
      %get3A_1116 = tpu.vector_load %arg6[%get3A_1114, %get3A_1115] {strides = array<i32>} : memref<25x128xf32, #tpu.memory_space<vmem>>, vector<1x16xf32>,
      %get3A_1117 = vector.shape_cast %get3A_1116 : vector<1x16xf32> to vector<16xf32>
      %add3A_1118 = arith.addf %add3A_1112, %get3A_1117 : vector<16xf32>
      %get3A_1119 = arith.constant 7 : i32
      %get3A_1120 = arith.index_cast %get3A_1119 : i32 to index
      %get3A_1121 = arith.constant 112 : index
      %get3A_1122 = tpu.vector_load %arg6[%get3A_1120, %get3A_1121] {strides = array<i32>} : memref<25x128xf32, #tpu.memory_space<vmem>>, vector<1x16xf32>,
      %get3A_1123 = vector.shape_cast %get3A_1122 : vector<1x16xf32> to vector<16xf32>
      %add3A_1124 = arith.addf %add3A_1118, %get3A_1123 : vector<16xf32>
      %get3A_1125 = arith.constant 8 : i32
      %get3A_1126 = arith.index_cast %get3A_1125 : i32 to index
      %get3A_1127 = arith.constant 112 : index
      %get3A_1128 = tpu.vector_load %arg6[%get3A_1126, %get3A_1127] {strides = array<i32>} : memref<25x128xf32, #tpu.memory_space<vmem>>, vector<1x16xf32>,
      %get3A_1129 = vector.shape_cast %get3A_1128 : vector<1x16xf32> to vector<16xf32>
      %add3A_1130 = arith.addf %add3A_1124, %get3A_1129 : vector<16xf32>
      %get3A_1131 = arith.constant 9 : i32
      %get3A_1132 = arith.index_cast %get3A_1131 : i32 to index
      %get3A_1133 = arith.constant 112 : index
      %get3A_1134 = tpu.vector_load %arg6[%get3A_1132, %get3A_1133] {strides = array<i32>} : memref<25x128xf32, #tpu.memory_space<vmem>>, vector<1x16xf32>,
      %get3A_1135 = vector.shape_cast %get3A_1134 : vector<1x16xf32> to vector<16xf32>
      %add3A_1136 = arith.addf %add3A_1130, %get3A_1135 : vector<16xf32>
      %get3A_1137 = arith.constant 10 : i32
      %get3A_1138 = arith.index_cast %get3A_1137 : i32 to index
      %get3A_1139 = arith.constant 112 : index
      %get3A_1140 = tpu.vector_load %arg6[%get3A_1138, %get3A_1139] {strides = array<i32>} : memref<25x128xf32, #tpu.memory_space<vmem>>, vector<1x16xf32>,
      %get3A_1141 = vector.shape_cast %get3A_1140 : vector<1x16xf32> to vector<16xf32>
      %add3A_1142 = arith.addf %add3A_1136, %get3A_1141 : vector<16xf32>
      %get3A_1143 = arith.constant 11 : i32
      %get3A_1144 = arith.index_cast %get3A_1143 : i32 to index
      %get3A_1145 = arith.constant 112 : index
      %get3A_1146 = tpu.vector_load %arg6[%get3A_1144, %get3A_1145] {strides = array<i32>} : memref<25x128xf32, #tpu.memory_space<vmem>>, vector<1x16xf32>,
      %get3A_1147 = vector.shape_cast %get3A_1146 : vector<1x16xf32> to vector<16xf32>
      %add3A_1148 = arith.addf %add3A_1142, %get3A_1147 : vector<16xf32>
      %get3A_1149 = arith.constant 12 : i32
      %get3A_1150 = arith.index_cast %get3A_1149 : i32 to index
      %get3A_1151 = arith.constant 112 : index
      %get3A_1152 = tpu.vector_load %arg6[%get3A_1150, %get3A_1151] {strides = array<i32>} : memref<25x128xf32, #tpu.memory_space<vmem>>, vector<1x16xf32>,
      %get3A_1153 = vector.shape_cast %get3A_1152 : vector<1x16xf32> to vector<16xf32>
      %add3A_1154 = arith.addf %add3A_1148, %get3A_1153 : vector<16xf32>
      %get3A_1155 = arith.constant 13 : i32
      %get3A_1156 = arith.index_cast %get3A_1155 : i32 to index
      %get3A_1157 = arith.constant 112 : index
      %get3A_1158 = tpu.vector_load %arg6[%get3A_1156, %get3A_1157] {strides = array<i32>} : memref<25x128xf32, #tpu.memory_space<vmem>>, vector<1x16xf32>,
      %get3A_1159 = vector.shape_cast %get3A_1158 : vector<1x16xf32> to vector<16xf32>
      %add3A_1160 = arith.addf %add3A_1154, %get3A_1159 : vector<16xf32>
      %get3A_1161 = arith.constant 14 : i32
      %get3A_1162 = arith.index_cast %get3A_1161 : i32 to index
      %get3A_1163 = arith.constant 112 : index
      %get3A_1164 = tpu.vector_load %arg6[%get3A_1162, %get3A_1163] {strides = array<i32>} : memref<25x128xf32, #tpu.memory_space<vmem>>, vector<1x16xf32>,
      %get3A_1165 = vector.shape_cast %get3A_1164 : vector<1x16xf32> to vector<16xf32>
      %add3A_1166 = arith.addf %add3A_1160, %get3A_1165 : vector<16xf32>
      %get3A_1167 = arith.constant 15 : i32
      %get3A_1168 = arith.index_cast %get3A_1167 : i32 to index
      %get3A_1169 = arith.constant 112 : index
      %get3A_1170 = tpu.vector_load %arg6[%get3A_1168, %get3A_1169] {strides = array<i32>} : memref<25x128xf32, #tpu.memory_space<vmem>>, vector<1x16xf32>,
      %get3A_1171 = vector.shape_cast %get3A_1170 : vector<1x16xf32> to vector<16xf32>
      %add3A_1172 = arith.addf %add3A_1166, %get3A_1171 : vector<16xf32>
      %get3A_1173 = arith.constant 16 : i32
      %get3A_1174 = arith.index_cast %get3A_1173 : i32 to index
      %get3A_1175 = arith.constant 112 : index
      %get3A_1176 = tpu.vector_load %arg6[%get3A_1174, %get3A_1175] {strides = array<i32>} : memref<25x128xf32, #tpu.memory_space<vmem>>, vector<1x16xf32>,
      %get3A_1177 = vector.shape_cast %get3A_1176 : vector<1x16xf32> to vector<16xf32>
      %add3A_1178 = arith.addf %add3A_1172, %get3A_1177 : vector<16xf32>
      %get3A_1179 = arith.constant 17 : i32
      %get3A_1180 = arith.index_cast %get3A_1179 : i32 to index
      %get3A_1181 = arith.constant 112 : index
      %get3A_1182 = tpu.vector_load %arg6[%get3A_1180, %get3A_1181] {strides = array<i32>} : memref<25x128xf32, #tpu.memory_space<vmem>>, vector<1x16xf32>,
      %get3A_1183 = vector.shape_cast %get3A_1182 : vector<1x16xf32> to vector<16xf32>
      %add3A_1184 = arith.addf %add3A_1178, %get3A_1183 : vector<16xf32>
      %get3A_1185 = arith.constant 18 : i32
      %get3A_1186 = arith.index_cast %get3A_1185 : i32 to index
      %get3A_1187 = arith.constant 112 : index
      %get3A_1188 = tpu.vector_load %arg6[%get3A_1186, %get3A_1187] {strides = array<i32>} : memref<25x128xf32, #tpu.memory_space<vmem>>, vector<1x16xf32>,
      %get3A_1189 = vector.shape_cast %get3A_1188 : vector<1x16xf32> to vector<16xf32>
      %add3A_1190 = arith.addf %add3A_1184, %get3A_1189 : vector<16xf32>
      %get3A_1191 = arith.constant 19 : i32
      %get3A_1192 = arith.index_cast %get3A_1191 : i32 to index
      %get3A_1193 = arith.constant 112 : index
      %get3A_1194 = tpu.vector_load %arg6[%get3A_1192, %get3A_1193] {strides = array<i32>} : memref<25x128xf32, #tpu.memory_space<vmem>>, vector<1x16xf32>,
      %get3A_1195 = vector.shape_cast %get3A_1194 : vector<1x16xf32> to vector<16xf32>
      %add3A_1196 = arith.addf %add3A_1190, %get3A_1195 : vector<16xf32>
      %get3A_1197 = arith.constant 20 : i32
      %get3A_1198 = arith.index_cast %get3A_1197 : i32 to index
      %get3A_1199 = arith.constant 112 : index
      %get3A_1200 = tpu.vector_load %arg6[%get3A_1198, %get3A_1199] {strides = array<i32>} : memref<25x128xf32, #tpu.memory_space<vmem>>, vector<1x16xf32>,
      %get3A_1201 = vector.shape_cast %get3A_1200 : vector<1x16xf32> to vector<16xf32>
      %add3A_1202 = arith.addf %add3A_1196, %get3A_1201 : vector<16xf32>
      %get3A_1203 = arith.constant 21 : i32
      %get3A_1204 = arith.index_cast %get3A_1203 : i32 to index
      %get3A_1205 = arith.constant 112 : index
      %get3A_1206 = tpu.vector_load %arg6[%get3A_1204, %get3A_1205] {strides = array<i32>} : memref<25x128xf32, #tpu.memory_space<vmem>>, vector<1x16xf32>,
      %get3A_1207 = vector.shape_cast %get3A_1206 : vector<1x16xf32> to vector<16xf32>
      %add3A_1208 = arith.addf %add3A_1202, %get3A_1207 : vector<16xf32>
      %get3A_1209 = arith.constant 22 : i32
      %get3A_1210 = arith.index_cast %get3A_1209 : i32 to index
      %get3A_1211 = arith.constant 112 : index
      %get3A_1212 = tpu.vector_load %arg6[%get3A_1210, %get3A_1211] {strides = array<i32>} : memref<25x128xf32, #tpu.memory_space<vmem>>, vector<1x16xf32>,
      %get3A_1213 = vector.shape_cast %get3A_1212 : vector<1x16xf32> to vector<16xf32>
      %add3A_1214 = arith.addf %add3A_1208, %get3A_1213 : vector<16xf32>
      %get3A_1215 = arith.constant 23 : i32
      %get3A_1216 = arith.index_cast %get3A_1215 : i32 to index
      %get3A_1217 = arith.constant 112 : index
      %get3A_1218 = tpu.vector_load %arg6[%get3A_1216, %get3A_1217] {strides = array<i32>} : memref<25x128xf32, #tpu.memory_space<vmem>>, vector<1x16xf32>,
      %get3A_1219 = vector.shape_cast %get3A_1218 : vector<1x16xf32> to vector<16xf32>
      %add3A_1220 = arith.addf %add3A_1214, %get3A_1219 : vector<16xf32>
      %get3A_1221 = arith.constant 24 : i32
      %get3A_1222 = arith.index_cast %get3A_1221 : i32 to index
      %get3A_1223 = arith.constant 112 : index
      %get3A_1224 = tpu.vector_load %arg6[%get3A_1222, %get3A_1223] {strides = array<i32>} : memref<25x128xf32, #tpu.memory_space<vmem>>, vector<1x16xf32>,
      %get3A_1225 = vector.shape_cast %get3A_1224 : vector<1x16xf32> to vector<16xf32>
      %add3A_1226 = arith.addf %add3A_1220, %get3A_1225 : vector<16xf32>
      %swap3A_1227 = arith.constant 112 : index
      %swap3A_1228 = tpu.vector_load %arg7[%swap3A_1227] {strides = array<i32>} : memref<128xf32, #tpu.memory_space<vmem>>, vector<16xf32>,
      %swap3A_1229 = vector.shape_cast %swap3A_1228 : vector<16xf32> to vector<16xf32>
      %swap3A_1230 = vector.shape_cast %add3A_1226 : vector<16xf32> to vector<16xf32>
      tpu.vector_store %arg7[%swap3A_1227], %swap3A_1230 {strides = array<i32>} : memref<128xf32, #tpu.memory_space<vmem>>, vector<16xf32>,
      "tpu.region"() ({
        %run_scoped3A = tpu.sem_alloc : memref<!tpu.dma_semaphore, #tpu.memory_space<semaphore_mem>>
        %dma_start3A_1231 = arith.constant 0 : i32
        %dma_start3A_1232 = tpu.memref_slice %arg4[%arg1, %dma_start3A_1231] : memref<8x128xf32, #tpu.memory_space<hbm>> -> memref<1x128xf32, #tpu.memory_space<hbm>>
        %dma_start3A_1233 = tpu.memref_squeeze %dma_start3A_1232 : memref<1x128xf32, #tpu.memory_space<hbm>> -> memref<128xf32, #tpu.memory_space<hbm>>
        %dma_start3A_1234 = arith.constant 0 : i32
        %dma_start3A_1235 = tpu.memref_slice %arg4[%arg1, %dma_start3A_1234] : memref<8x128xf32, #tpu.memory_space<hbm>> -> memref<1x128xf32, #tpu.memory_space<hbm>>
        %dma_start3A_1236 = tpu.memref_squeeze %dma_start3A_1235 : memref<1x128xf32, #tpu.memory_space<hbm>> -> memref<128xf32, #tpu.memory_space<hbm>>
        tpu.enqueue_dma source(%arg7 : memref<128xf32, #tpu.memory_space<vmem>>) target(%dma_start3A_1236 : memref<128xf32, #tpu.memory_space<hbm>>) target_semaphore(%run_scoped3A : memref<!tpu.dma_semaphore, #tpu.memory_space<semaphore_mem>>)
        %dma_wait3A_1237 = arith.constant 0 : i32
        %dma_wait3A_1238 = tpu.memref_slice %arg4[%arg1, %dma_wait3A_1237] : memref<8x128xf32, #tpu.memory_space<hbm>> -> memref<1x128xf32, #tpu.memory_space<hbm>>
        %dma_wait3A_1239 = tpu.memref_squeeze %dma_wait3A_1238 : memref<1x128xf32, #tpu.memory_space<hbm>> -> memref<128xf32, #tpu.memory_space<hbm>>
        %dma_wait3A_1240 = arith.constant 0 : i32
        %dma_wait3A_1241 = tpu.memref_slice %arg4[%arg1, %dma_wait3A_1240] : memref<8x128xf32, #tpu.memory_space<hbm>> -> memref<1x128xf32, #tpu.memory_space<hbm>>
        %dma_wait3A_1242 = tpu.memref_squeeze %dma_wait3A_1241 : memref<1x128xf32, #tpu.memory_space<hbm>> -> memref<128xf32, #tpu.memory_space<hbm>>
        tpu.wait_dma2 semaphore(%run_scoped3A : memref<!tpu.dma_semaphore, #tpu.memory_space<semaphore_mem>>) src(%arg7 : memref<128xf32, #tpu.memory_space<vmem>>) dst(%dma_wait3A_1242 : memref<128xf32, #tpu.memory_space<hbm>>)
        tpu.yield
      }) : () -> ()
    } else {
    }
    return
  }
}

module attributes {stable_mosaic.version = 14 : i64} {
  func.func @_fused_body(%arg0: i32, %arg1: i32, %arg2: memref<8x128xf32, #tpu.memory_space<vmem>>, %arg3: memref<10000x128xf32, #tpu.memory_space<vmem>>, %arg4: memref<1x1x10000xf32, #tpu.memory_space<vmem>>, %arg5: memref<1x1x10000xf32, #tpu.memory_space<vmem>>, %arg6: memref<10x10000xf32, #tpu.memory_space<vmem>>, %arg7: memref<1xf32, #tpu.memory_space<smem>>, %arg8: memref<1xf32, #tpu.memory_space<smem>>) attributes {dimension_semantics = [#tpu.dimension_semantics<arbitrary>, #tpu.dimension_semantics<arbitrary>], iteration_bounds = array<i64: 2, 10>, scalar_prefetch = 0 : i64, scratch_operands = 3 : i64, tpu.core_type = #tpu.core_type<tc>, window_params = [{pipeline_mode = #tpu.pipeline_mode<synchronous>, transform_indices = @transform_0, window_bounds = array<i64: 8, 128>}, {transform_indices = @transform_1, window_bounds = array<i64: 10000, 128>}, {transform_indices = @transform_2, window_bounds = array<i64: 1, 1, 10000>}, {transform_indices = @transform_3, window_bounds = array<i64: 1, 1, 10000>}]} {
    %eq3A = arith.constant 0 : i32
    %eq3A_0 = arith.cmpi eq, %arg0, %eq3A : i32
    %eq3A_1 = arith.constant 0 : i32
    %eq3A_2 = arith.cmpi eq, %arg1, %eq3A_1 : i32
    %and3A = arith.andi %eq3A_0, %eq3A_2 : i1
    %convert_element_type3A = arith.extui %and3A : i1 to i32
    %cond3A = arith.constant 0 : i32
    %cond3A_3 = arith.cmpi ne, %convert_element_type3A, %cond3A : i32
    scf.if %cond3A_3 {
      %swap3A = arith.constant 0xFF800000 : f32
      %swap3A_14 = arith.constant 0 : index
      %swap3A_15 = memref.load %arg7[%swap3A_14] : memref<1xf32, #tpu.memory_space<smem>>
      memref.store %swap3A, %arg7[%swap3A_14] : memref<1xf32, #tpu.memory_space<smem>>
      %swap3A_16 = arith.constant 0.000000e+00 : f32
      %swap3A_17 = arith.constant 0 : index
      %swap3A_18 = memref.load %arg8[%swap3A_17] : memref<1xf32, #tpu.memory_space<smem>>
      memref.store %swap3A_16, %arg8[%swap3A_17] : memref<1xf32, #tpu.memory_space<smem>>
    } else {
    }
    %eq3A_4 = arith.constant 0 : i32
    %eq3A_5 = arith.cmpi eq, %arg0, %eq3A_4 : i32
    %convert_element_type3A_6 = arith.extui %eq3A_5 : i1 to i32
    %cond3A_7 = arith.constant 0 : i32
    %cond3A_8 = arith.cmpi ne, %convert_element_type3A_6, %cond3A_7 : i32
    scf.if %cond3A_8 {
      %get3A = arith.constant 0 : index
      %get3A_14 = arith.constant 0 : index
      %get3A_15 = vector.load %arg2[%get3A, %get3A_14] : memref<8x128xf32, #tpu.memory_space<vmem>>, vector<8x128xf32>
      %reduce_sum3A = arith.constant dense<0.000000e+00> : vector<128xf32>
      %reduce_sum3A_16 = vector.multi_reduction <add>, %get3A_15, %reduce_sum3A [0] : vector<8x128xf32> to vector<128xf32>
      %broadcast_in_dim3A = vector.shape_cast %reduce_sum3A_16 : vector<128xf32> to vector<1x128xf32>
      %mul3A = arith.constant 5.000000e-03 : f32
      %mul3A_17 = vector.broadcast %mul3A : f32 to vector<1x128xf32>
      %mul3A_18 = arith.mulf %broadcast_in_dim3A, %mul3A_17 : vector<1x128xf32>
      %convert_element_type3A_19 = arith.truncf %mul3A_18 : vector<1x128xf32> to vector<1x128xbf16>
      %get3A_20 = arith.constant 0 : index
      %get3A_21 = arith.constant 0 : index
      %get3A_22 = vector.load %arg3[%get3A_20, %get3A_21] : memref<10000x128xf32, #tpu.memory_space<vmem>>, vector<10000x128xf32>
      %convert_element_type3A_23 = arith.truncf %get3A_22 : vector<10000x128xf32> to vector<10000x128xbf16>
      %dot_general3A = arith.constant dense<0.000000e+00> : vector<1x10000xf32>
      %dot_general3A_24 = tpu.matmul %convert_element_type3A_19, %convert_element_type3A_23, %dot_general3A {dimension_numbers = #tpu.dot_dimension_numbers<[1], [1], [0], [0], [0, 0, 1, 0], [], []>, transpose_lhs_hint = false} : vector<1x128xbf16>, vector<10000x128xbf16>, vector<1x10000xf32> -> vector<1x10000xf32>
      %get3A_25 = arith.constant 0 : index
      %get3A_26 = arith.constant 0 : index
      %get3A_27 = arith.constant 0 : index
      %get3A_28 = vector.load %arg4[%get3A_25, %get3A_26, %get3A_27] : memref<1x1x10000xf32, #tpu.memory_space<vmem>>, vector<1x1x10000xf32>
      %get3A_29 = vector.shape_cast %get3A_28 : vector<1x1x10000xf32> to vector<1x10000xf32>
      %add3A = arith.addf %dot_general3A_24, %get3A_29 : vector<1x10000xf32>
      %swap3A = arith.index_cast %arg1 : i32 to index
      %swap3A_30 = arith.constant 0 : index
      %swap3A_31 = vector.load %arg6[%swap3A, %swap3A_30] : memref<10x10000xf32, #tpu.memory_space<vmem>>, vector<1x10000xf32>
      tpu.vector_store %arg6[%swap3A, %swap3A_30], %add3A {strides = array<i32>} : memref<10x10000xf32, #tpu.memory_space<vmem>>, vector<1x10000xf32>,
      %get3A_32 = arith.constant 0 : index
      %get3A_33 = memref.load %arg7[%get3A_32] : memref<1xf32, #tpu.memory_space<smem>>
      %reduce_max3A = vector.shape_cast %add3A : vector<1x10000xf32> to vector<1x1x10000xf32>
      %reduce_max3A_34 = arith.constant dense<0xFF800000> : vector<1xf32>
      %reduce_max3A_35 = vector.multi_reduction <maximumf>, %reduce_max3A, %reduce_max3A_34 [1, 2] : vector<1x1x10000xf32> to vector<1xf32>
      %reduce_max3A_36 = vector.shape_cast %reduce_max3A_35 : vector<1xf32> to vector<1x1x1xf32>
      %reduce_max3A_37 = vector.extract %reduce_max3A_36[0, 0, 0] : f32 from vector<1x1x1xf32>
      %max3A = arith.maximumf %get3A_33, %reduce_max3A_37 : f32
      %get3A_38 = arith.constant 0 : index
      %get3A_39 = memref.load %arg8[%get3A_38] : memref<1xf32, #tpu.memory_space<smem>>
      %sub3A = arith.subf %get3A_33, %max3A : f32
      %exp3A = math.exp %sub3A : f32
      %mul3A_40 = arith.mulf %get3A_39, %exp3A : f32
      %sub3A_41 = vector.broadcast %max3A : f32 to vector<1x10000xf32>
      %sub3A_42 = arith.subf %add3A, %sub3A_41 : vector<1x10000xf32>
      %exp3A_43 = math.exp %sub3A_42 : vector<1x10000xf32>
      %reduce_sum3A_44 = vector.shape_cast %exp3A_43 : vector<1x10000xf32> to vector<1x1x10000xf32>
      %reduce_sum3A_45 = arith.constant dense<0.000000e+00> : vector<1xf32>
      %reduce_sum3A_46 = vector.multi_reduction <add>, %reduce_sum3A_44, %reduce_sum3A_45 [1, 2] : vector<1x1x10000xf32> to vector<1xf32>
      %reduce_sum3A_47 = vector.shape_cast %reduce_sum3A_46 : vector<1xf32> to vector<1x1x1xf32>
      %reduce_sum3A_48 = vector.extract %reduce_sum3A_47[0, 0, 0] : f32 from vector<1x1x1xf32>
      %add3A_49 = arith.addf %mul3A_40, %reduce_sum3A_48 : f32
      %swap3A_50 = arith.constant 0 : index
      %swap3A_51 = memref.load %arg8[%swap3A_50] : memref<1xf32, #tpu.memory_space<smem>>
      memref.store %add3A_49, %arg8[%swap3A_50] : memref<1xf32, #tpu.memory_space<smem>>
      %swap3A_52 = arith.constant 0 : index
      %swap3A_53 = memref.load %arg7[%swap3A_52] : memref<1xf32, #tpu.memory_space<smem>>
      memref.store %max3A, %arg7[%swap3A_52] : memref<1xf32, #tpu.memory_space<smem>>
    } else {
    }
    %eq3A_9 = arith.constant 1 : i32
    %eq3A_10 = arith.cmpi eq, %arg0, %eq3A_9 : i32
    %convert_element_type3A_11 = arith.extui %eq3A_10 : i1 to i32
    %cond3A_12 = arith.constant 0 : i32
    %cond3A_13 = arith.cmpi ne, %convert_element_type3A_11, %cond3A_12 : i32
    scf.if %cond3A_13 {
      %get3A = arith.constant 0 : index
      %get3A_14 = memref.load %arg7[%get3A] : memref<1xf32, #tpu.memory_space<smem>>
      %get3A_15 = arith.constant 0 : index
      %get3A_16 = memref.load %arg8[%get3A_15] : memref<1xf32, #tpu.memory_space<smem>>
      %log3A = math.log %get3A_16 : f32
      %add3A = arith.addf %get3A_14, %log3A : f32
      %get3A_17 = arith.index_cast %arg1 : i32 to index
      %get3A_18 = arith.constant 0 : index
      %get3A_19 = vector.load %arg6[%get3A_17, %get3A_18] : memref<10x10000xf32, #tpu.memory_space<vmem>>, vector<1x10000xf32>
      %sub3A = vector.broadcast %add3A : f32 to vector<1x10000xf32>
      %sub3A_20 = arith.subf %get3A_19, %sub3A : vector<1x10000xf32>
      %swap3A = arith.constant 0 : index
      %swap3A_21 = arith.constant 0 : index
      %swap3A_22 = arith.constant 0 : index
      %swap3A_23 = vector.load %arg5[%swap3A, %swap3A_21, %swap3A_22] : memref<1x1x10000xf32, #tpu.memory_space<vmem>>, vector<1x1x10000xf32>
      %swap3A_24 = vector.shape_cast %swap3A_23 : vector<1x1x10000xf32> to vector<1x10000xf32>
      %swap3A_25 = vector.shape_cast %sub3A_20 : vector<1x10000xf32> to vector<1x1x10000xf32>
      tpu.vector_store %arg5[%swap3A, %swap3A_21, %swap3A_22], %swap3A_25 {strides = array<i32>} : memref<1x1x10000xf32, #tpu.memory_space<vmem>>, vector<1x1x10000xf32>,
    } else {
    }
    return
  }
  func.func @transform_0(%arg0: i32, %arg1: i32) -> (i32, i32) {
    %c0_i32 = arith.constant 0 : i32
    %c0_i32_0 = arith.constant 0 : i32
    %c0_i32_1 = arith.constant 0 : i32
    return %c0_i32, %c0_i32_0 : i32, i32
  }
  func.func @transform_1(%arg0: i32, %arg1: i32) -> (i32, i32) {
    %eq3A = arith.constant 0 : i32
    %eq3A_0 = arith.cmpi eq, %arg0, %eq3A : i32
    %mul3A = arith.constant 1 : i32
    %mul3A_1 = arith.muli %mul3A, %arg1 : i32
    %add3A = arith.constant 0 : i32
    %add3A_2 = arith.addi %mul3A_1, %add3A : i32
    %jit3A = arith.constant 9 : i32
    %select_n3A = arith.select %eq3A_0, %add3A_2, %jit3A : i32
    %c0_i32 = arith.constant 0 : i32
    %c0_i32_3 = arith.constant 0 : i32
    return %select_n3A, %c0_i32 : i32, i32
  }
  func.func @transform_2(%arg0: i32, %arg1: i32) -> (i32, i32, i32) {
    %eq3A = arith.constant 0 : i32
    %eq3A_0 = arith.cmpi eq, %arg0, %eq3A : i32
    %jit3A = arith.constant 9 : i32
    %select_n3A = arith.select %eq3A_0, %arg1, %jit3A : i32
    %c0_i32 = arith.constant 0 : i32
    %c0_i32_1 = arith.constant 0 : i32
    %c0_i32_2 = arith.constant 0 : i32
    return %select_n3A, %c0_i32, %c0_i32_1 : i32, i32, i32
  }
  func.func @transform_3(%arg0: i32, %arg1: i32) -> (i32, i32, i32) {
    %eq3A = arith.constant 0 : i32
    %eq3A_0 = arith.cmpi eq, %arg0, %eq3A : i32
    %jit3A = arith.constant 0 : i32
    %select_n3A = arith.select %eq3A_0, %jit3A, %arg1 : i32
    %c0_i32 = arith.constant 0 : i32
    %c0_i32_1 = arith.constant 0 : i32
    %c0_i32_2 = arith.constant 0 : i32
    return %select_n3A, %c0_i32, %c0_i32_1 : i32, i32, i32
  }
}

</mosaic_0001>

<sc_bundles>
// kernel: kernel.4.cloned.1.call-start
scs
__scs_entry_jumppad:
0x0: {  	(pc) =	sbr.rel $0x88, $3  }
0x1: {  	(tag) =	ssettag $0x0;
	lr =	simm.s32 $0x1  }
0x2: {  	[smem:$0x3F9D] =	sst lr;
	_ =	strace $0xD0000000  }
0x3: {  	_ = 	snop  }
0x4: {  	_ = 	snop  }
0x5: {  	_ = 	snop  }
0x6: {  	_ = 	snop  }
0x7: {  	_ = 	snop  }
__scs_overlays_trampoline_lowered:
0x8: {  	[smem:$0x3FAC] =	sst s0  }
0x9: {  	[smem:$0x3FAD] =	sst s1  }
0xa: {  	[smem:$0x3FAE] =	sst s2  }
0xb: {  	[smem:$0x3FAF] =	sst s3  }
0xc: {  	[smem:$0x3FB0] =	sst s4  }
0xd: {  	[smem:$0x3FB1] =	sst s5  }
0xe: {  	[smem:$0x3FB2] =	sst s6  }
0xf: {  	[smem:$0x3FB3] =	sst s7  }
0x10: {  	[smem:$0x3FB4] =	sst s8  }
0x11: {  	[smem:$0x3FB5] =	sst s9;
	s0 =	simm.s32 @!p0 $0x0  }
0x12: {  	s1 =	sld [smem:$0x3F9B];
	s0 =	simm.s32 @p0 $0x1  }
0x13: {  	[smem:$0x3FB6] =	sst s0;
	s0 =	simm.s32 @!p1 $0x0  }
0x14: {  	s2 =	sld [smem:$0x3F9A];
	s0 =	simm.s32 @p1 $0x1  }
0x15: {  	[smem:$0x3FB7] =	sst s0;
	s0 =	simm.s32 @!p2 $0x0  }
0x16: {  	s3 =	sld [smem:$0x3FDB];
	s0 =	simm.s32 @p2 $0x1  }
0x17: {  	s4 =	simm.s32 $0x1BF5;
	[smem:$0x3FB9] =	sst s0  }
0x18: {  	s0 =	sld [smem:$0x3F9C];
	_ =	swait.ge [sflag:s4], $0x0  }
0x19: {  	s7 =	sld [smem:$0x3F9D]  }
0x1a: {  	s8 =	sadd.s32 $0xFFFFE003, lr  }
0x1b: {  	s9 =	sadd.s32 $0xFFFFFEF7, lr;
	s5 =	simm.s32 $0xFFFFFFFF;
	p2 =	slt.u32 s8, $0xFFFFF086  }
0x1c: {  	p1 =	slt.u32 s9, $0xF7A;
	s5 =	simm.s32 @!p2 $0x0  }
0x1d: {  	s5 =	simm.s32 @p1 $0x1;
	p0 =	seq.s32 s7, s2  }
0x1e: {  	s7 =	smul.u32 @!p0 $0xF7A, s2;
	p2 =	seq.s32 @!p0 s5, $0x0  }
0x1f: {  	s9 =	smul.u32 $0xF7A, s1;
	s8 =	simm.s32 @!p0 $0x1BF5;
	p2 =	por !p2, p0  }
0x20: {  	[sflag:s8] =	ssyncset.s32 @!p0 $0xFFFFF086;
	s6 =	sadd.s32 @!p0 s3, s7;
	s7 =	simm.s32 @!p0 $0x108  }
0x21: {  	s3 =	sadd.s32 s3, s9;
	s6 =	sadd.s32 @!p0 $0x88, s6;
	s7 =	simm.s32 @p2 $0x1082  }
0x22: {  	[simem:s7], [sflag:s8] =	dma.local @!p0 [hbm:s6], $0xF7A  }
0x23: {  	s9 =	sor.u32 $0xD0000000, s2;
	s6 =	simm.s32 $0x108;
	_ =	swait.ge @!p0 [sflag:s8], $0x0  }
0x24: {  	s3 =	sadd.s32 $0x88, s3;
	s6 =	simm.s32 @!p1 $0x1082;
	[sflag:s4] =	ssyncset.s32 $0xFFFFF086  }
0x25: {  	[simem:s6], [sflag:s4] =	dma.local [hbm:s3], $0xF7A  }
0x26: {  	[smem:$0x3F9D] =	sst s1;
	(tag) =	ssettag s2;
	_ =	strace s9  }
0x27: {  	s1 =	sld [smem:$0x3FAD]  }
0x28: {  	s2 =	sld [smem:$0x3FAE]  }
0x29: {  	s4 =	sld [smem:$0x3FB0]  }
0x2a: {  	p0 =	seq.s32 s5, $0x0;
	s5 =	sld [smem:$0x3FB1]  }
0x2b: {  	s6 =	sld [smem:$0x3FB2]  }
0x2c: {  	s7 =	sld [smem:$0x3FB3]  }
0x2d: {  	s3 =	simm.s32 $0x108;
	s8 =	sld [smem:$0x3FB4]  }
0x2e: {  	s3 =	simm.s32 @!p0 $0x1082;
	s9 =	sld [smem:$0x3FB5]  }
0x2f: {  	lr =	sadd.s32 s0, s3;
	s0 =	sld [smem:$0x3FAC]  }
0x30: {  	s3 =	sld [smem:$0x3FAF]  }
0x31: {  	[smem:$0x3FB8] =	sst s10  }
0x32: {  	s10 =	sld [smem:$0x3FB6];
	_ =	sdelay $0x3  }
0x33: {  	p0 =	seq.s32 s10, $0x1;
	s10 =	sld [smem:$0x3FB8];
	_ =	sdelay $0x3  }
0x34: {  	[smem:$0x3FB8] =	sst s10  }
0x35: {  	s10 =	sld [smem:$0x3FB7];
	_ =	sdelay $0x3  }
0x36: {  	p1 =	seq.s32 s10, $0x1;
	s10 =	sld [smem:$0x3FB8];
	_ =	sdelay $0x3  }
0x37: {  	[smem:$0x3FB8] =	sst s10  }
0x38: {  	s10 =	sld [smem:$0x3FB9]  }
0x39: {  	_ = 	snop;
	(pc) =	sbr.ind lr, $3  }
0x3a: {  	_ = 	snop  }
0x3b: {  	_ = 	snop  }
0x3c: {  	p2 =	seq.s32 s10, $0x1;
	s10 =	sld [smem:$0x3FB8]  }
0x3d: {  	_ =	shalt  }
0x3e: {  	_ =	shalt  }
0x3f: {  	_ =	shalt  }
0x40: {  	_ =	shalt  }
0x41: {  	_ =	shalt  }
0x42: {  	_ =	shalt  }
0x43: {  	_ =	shalt  }
0x44: {  	_ =	shalt  }
0x45: {  	_ =	shalt  }
0x46: {  	_ =	shalt  }
0x47: {  	_ =	shalt  }
0x48: {  	_ =	shalt  }
0x49: {  	_ =	shalt  }
0x4a: {  	_ =	shalt  }
0x4b: {  	_ =	shalt  }
0x4c: {  	_ =	shalt  }
0x4d: {  	_ =	shalt  }
0x4e: {  	_ =	shalt  }
0x4f: {  	_ =	shalt  }
0x50: {  	_ =	shalt  }
0x51: {  	_ =	shalt  }
0x52: {  	_ =	shalt  }
0x53: {  	_ =	shalt  }
0x54: {  	_ =	shalt  }
0x55: {  	_ =	shalt  }
0x56: {  	_ =	shalt  }
0x57: {  	_ =	shalt  }
0x58: {  	_ =	shalt  }
0x59: {  	_ =	shalt  }
0x5a: {  	_ =	shalt  }
0x5b: {  	_ =	shalt  }
0x5c: {  	_ =	shalt  }
0x5d: {  	_ =	shalt  }
0x5e: {  	_ =	shalt  }
0x5f: {  	_ =	shalt  }
0x60: {  	_ =	shalt  }
0x61: {  	_ =	shalt  }
0x62: {  	_ =	shalt  }
0x63: {  	_ =	shalt  }
0x64: {  	_ =	shalt  }
0x65: {  	_ =	shalt  }
0x66: {  	_ =	shalt  }
0x67: {  	_ =	shalt  }
0x68: {  	_ =	shalt  }
0x69: {  	_ =	shalt  }
0x6a: {  	_ =	shalt  }
0x6b: {  	_ =	shalt  }
0x6c: {  	_ =	shalt  }
0x6d: {  	_ =	shalt  }
0x6e: {  	_ =	shalt  }
0x6f: {  	_ =	shalt  }
0x70: {  	_ =	shalt  }
0x71: {  	_ =	shalt  }
0x72: {  	_ =	shalt  }
0x73: {  	_ =	shalt  }
0x74: {  	_ =	shalt  }
0x75: {  	_ =	shalt  }
0x76: {  	_ =	shalt  }
0x77: {  	_ =	shalt  }
0x78: {  	_ =	shalt  }
0x79: {  	_ =	shalt  }
0x7a: {  	_ =	shalt  }
0x7b: {  	_ =	shalt  }
0x7c: {  	_ =	shalt  }
0x7d: {  	_ =	shalt  }
0x7e: {  	_ =	shalt  }
0x7f: {  	_ =	shalt  }
0x80: {  	_ =	shalt  }
0x81: {  	_ =	shalt  }
0x82: {  	_ =	shalt  }
0x83: {  	_ =	shalt  }
0x84: {  	_ =	shalt  }
0x85: {  	_ =	shalt  }
0x86: {  	_ =	shalt  }
0x87: {  	_ =	shalt  }
.Lfunc_end0:
.L_simem_size_0:
called_computation_lowered:
.L_overlay_start_0:
0x88: {  	s0 =	sld [smem:$0x3FD9]  }
0x89: {  	s1 =	sld [smem:$0x3FFE];
	_ =	sdelay $0x3  }
0x8a: {  	s0 =	sadd.s32 s1, s0  }
0x8b: {  	[smem:$0x3FC4] =	sst s0  }
0x8c: {  	_ = 	snop  }
0x8d: {  	s0 =	sld [smem:$0x3FC8]  }
0x8e: {  	s16 =	sld [smem:$0x3FD0];
	(tm) =	ssettm $0x1  }
0x8f: {  	s2 =	sld [smem:$0x3FFB];
	_ =	sdelay $0x3  }
0x90: {  	_ =	strace s2  }
0x91: {  	s2 =	sld [smem:$0x3FFC];
	_ =	sdelay $0x3  }
0x92: {  	_ =	strace s2  }
0x93: {  	s2 =	sld [smem:$0x3FFD];
	_ =	sdelay $0x3  }
0x94: {  	_ =	strace s2  }
0x95: {  	_ =	strace $0x8FFFFFFF  }
0x96: {  	s17 =	sld [smem:$0x3FDB];
	_ =	sdelay $0x1  }
0x97: {  	s3 =	simm.s32 $_scs_section_size  }
0x98: {  	s4 =	simm.s32 $_size__tile_overlayer_lowered;
	s5 =	simm.s32 $_tile_overlayer_lowered  }
0x99: {  	s20 =	simm.s32 $0x1BFF;
	s19 =	sshll.u32 s5, $0x1;
	s2 =	sadd.s32 s3, s17  }
0x9a: {  	s6 =	simm.s32 $0x0;
	s18 =	sshll.u32 s4, $0x1;
	s4 =	sadd.s32 s19, s2  }
0x9b: {  	[timem:s6], [sflag:s20] =	dma.local [hbm:s4], s18  }
0x9c: {  	_ =	swait.ge [sflag:s20], s18  }
0x9d: {  	s3 =	ssub.s32 $0x0, s18;
	[sflag:s20] =	ssyncset.done $0x0  }
0x9e: {  	[sflag:s20] =	ssyncadd.s32 s3;
	_ =	sdelay $0x1  }
0x9f: {  	s21 =	simm.s32 $0x1B8B  }
0xa0: {  	_ =	swait.ge [sflag:s21], $0x1  }
0xa1: {  	[sflag:s21] =	ssyncset.done $0x0  }
0xa2: {  	s23 =	simm.s32 $0x1B8E;
	s22 =	sld [smem:$0x3FFE];
	[sflag:s21] =	ssyncadd.s32 $0xFFFFFFFF  }
0xa3: {  	s24 =	simm.s32 $execute0_lowered;
	[smem:$0x3FD2] =	sst s23  }
0xa4: {  	s4 =	sshll.u32 s24, $0x1;
	_ =	strace $0x80000046;
	[dreg:$0x1] =	wrdreg $0xFFFFFFFF  }
0xa5: {  	s25 =	simm.s32 $_size_execute0_lowered;
	s2 =	sadd.s32 s2, s4;
	[dreg:$0x0] =	wrdreg $0x0  }
0xa6: {  	s4 =	sshll.u32 s25, $0x1;
	[dreg:$0x2] =	wrdreg s2  }
0xa7: {  	[dreg:$0x3] =	wrdreg s4  }
0xa8: {  	[dreg:$0x4] =	wrdreg $0xC0  }
0xa9: {  	_ =	task [dreg:s6], $0x5FFFF  }
0xaa: {  	[dreg:$0x1] =	wrdreg $0xFFFFFFFF  }
0xab: {  	[dreg:$0x0] =	wrdreg $0x60  }
0xac: {  	[dreg:$0x2] =	wrdreg s16  }
0xad: {  	[dreg:$0x3] =	wrdreg s0  }
0xae: {  	[dreg:$0x4] =	wrdreg s22  }
0xaf: {  	[dreg:$0x5] =	wrdreg $0x9  }
0xb0: {  	_ =	task.clear_ibuf [dreg:s6], $0x6FFFF;
	_ =	strace $0x90000046  }
0xb1: {  	s26 =	simm.s32 $0x9;
	_ =	strace $0x80000048  }
0xb2: {  	_ =	swait.ge [sflag:s26], $0x1  }
0xb3: {  	[sflag:s26] =	ssyncadd.s32 $0xFFFFFFFF  }
0xb4: {  	_ =	strace $0x90000048  }
0xb5: {  	_ =	sfence  }
0xb6: {  	s28 =	sld [smem:$0x0];
	_ =	sdelay $0x1  }
0xb7: {  	s29 =	srdreg.scid  }
0xb8: {  	s30 =	sshll.u32 s29, $0xD;
	s31 =	sshrl.u32 s29, $0x2  }
0xb9: {  	s1 =	sand.u32 $0x1, s29;
	s2 =	sand.u32 $0x4000, s30;
	s0 =	sadd.s32 s31, s28  }
0xba: {  	s1 =	sor.u32 s2, s1;
	s0 =	sshll.u32 s0, $0x11  }
0xbb: {  	s0 =	sor.u32 s0, s1  }
0xbc: {  	s0 =	sadd.s32 $0x8F2B, s0  }
0xbd: {  	[sflag:s0] =	ssyncadd.remote.s32 $0x1  }
0xbe: {  	_ =	sfence.sel $0xFFFF  }
0xbf: {  	[dreg:$0x0] =	wrdreg $0xFFFFFFFF;
	(pc) =	sbr.abs _section_cstart, $3  }
0xc0: {  	[dreg:$0x1] =	wrdreg $0xFFFFFFFF  }
0xc1: {  	_ =	task.clear_ibuf [dreg:s6], $0x2FFFF;
	_ =	strace $0x9FFFFFFF  }
0xc2: {  	(tm) =	ssettm $0x7FFFFFFF  }
0xc3: {  	_ =	shalt  }
tec
execute0_lowered:
.L_overlay_start_1:
0x0: {  	(tag) =	ssettag $0x1  }
0x1: {  	s1 =	stileid.u32  }
0x2: {  	p0 =	sgt.u32 s1, $0x7  }
.Ltmp0:
0x3: {  	s4 =	rddreg [dreg:$0x0];
	(pc) =	sbr.rel @p0 .LBB2_2-.Ltmp0, $4  }
0x4: {  	s6 =	rddreg [dreg:$0x1]  }
0x5: {  	s3 =	rddreg [dreg:$0x2];
	s2 =	simm.s32 $0x0  }
0x6: {  	[smem:$0x7FF] =	sst s2  }
0x7: {  	s0 =	rddreg [dreg:$0x3];
	_ =	strace $0x80000047  }
0x8: {  	s5 =	sshll.u32 s1, $0x4  }
0x9: {  	s29 =	simm.s32 $0x2;
	s4 =	sadd.s32 s4, s5  }
0xa: {  	[tilespmem:s2], [sflag:$0x2] =	stream.linear.gather [hbm4b:s4+s2], $0x80, $0x38;
	[tilespmem:$0x1100] =	vst v63  }
0xb: {  	_ =	swait.ge [sflag:s29], $0x80  }
0xc: {  	s7 =	simm.s32 $0x19;
	[sflag:s29] =	ssyncset.done $0x0  }
0xd: {  	s8 =	simm.s32 $0x80;
	s30 =	simm.s32 $0x1;
	[sflag:s29] =	ssyncadd.s32 $0xFFFFFF80  }
0xe: {  	[tilespmem:s8], [sflag:$0x1] =	stream.indirect.gather [hbm4b:s6+s7], $0x80, s2, s7, $0xb8;
	[tilespmem:$0x1100] =	vst v63  }
0xf: {  	_ =	swait.ge [sflag:s30], $0xC80  }
0x10: {  	[sflag:s30] =	ssyncset.done $0x0  }
0x11: {  	[sflag:s30] =	ssyncadd.s32 $0xFFFFF380  }
0x12: {  	v33 =	vld [tilespmem:$0x80]  }
0x13: {  	v31 =	vld [tilespmem:$0x100]  }
0x14: {  	v35 =	vld [tilespmem:$0x180]  }
0x15: {  	v39 =	vld [tilespmem:$0x200]  }
0x16: {  	v43 =	vld [tilespmem:$0x280]  }
0x17: {  	v47 =	vld [tilespmem:$0x300]  }
0x18: {  	v52 =	vld [tilespmem:$0x380]  }
0x19: {  	v56 =	vld [tilespmem:$0x400]  }
0x1a: {  	v59 =	vld [tilespmem:$0x480]  }
0x1b: {  	v0 =	vld [tilespmem:$0x500]  }
0x1c: {  	v57 =	vld [tilespmem:$0x580]  }
0x1d: {  	v58 =	vld [tilespmem:$0x600]  }
0x1e: {  	v60 =	vld [tilespmem:$0x680]  }
0x1f: {  	v61 =	vld [tilespmem:$0x700]  }
0x20: {  	v62 =	vld [tilespmem:$0x780]  }
0x21: {  	v63 =	vld [tilespmem:$0x800]  }
0x22: {  	v4 =	vld [tilespmem:$0x880]  }
0x23: {  	v5 =	vld [tilespmem:$0x900]  }
0x24: {  	v6 =	vld [tilespmem:$0x980]  }
0x25: {  	v7 =	vld [tilespmem:$0xA00]  }
0x26: {  	v8 =	vld [tilespmem:$0xA80]  }
0x27: {  	v9 =	vld [tilespmem:$0xB00]  }
0x28: {  	v10 =	vld [tilespmem:$0xB80]  }
0x29: {  	v11 =	vld [tilespmem:$0xC00]  }
0x2a: {  	v12 =	vld [tilespmem:$0xC80]  }
0x2b: {  	v19 =	vld [tilespmem:$0x90]  }
0x2c: {  	v21 =	vld [tilespmem:$0x110]  }
0x2d: {  	v24 =	vld [tilespmem:$0x190]  }
0x2e: {  	v22 =	vld [tilespmem:$0x210]  }
0x2f: {  	v26 =	vld [tilespmem:$0x290]  }
0x30: {  	v29 =	vld [tilespmem:$0x310]  }
0x31: {  	v34 =	vld [tilespmem:$0x390]  }
0x32: {  	v38 =	vld [tilespmem:$0x410]  }
0x33: {  	v42 =	vld [tilespmem:$0x490]  }
0x34: {  	v46 =	vld [tilespmem:$0x510]  }
0x35: {  	v50 =	vld [tilespmem:$0x590]  }
0x36: {  	v54 =	vld [tilespmem:$0x610]  }
0x37: {  	v13 =	vld [tilespmem:$0x790]  }
0x38: {  	v14 =	vld [tilespmem:$0x810]  }
0x39: {  	v15 =	vld [tilespmem:$0x890]  }
0x3a: {  	v16 =	vld [tilespmem:$0x910]  }
0x3b: {  	v17 =	vld [tilespmem:$0x990]  }
0x3c: {  	v18 =	vld [tilespmem:$0xA10]  }
0x3d: {  	v20 =	vld [tilespmem:$0xA90]  }
0x3e: {  	v23 =	vld [tilespmem:$0xB10]  }
0x3f: {  	v25 =	vld [tilespmem:$0xB90]  }
0x40: {  	v27 =	vld [tilespmem:$0xC10]  }
0x41: {  	v28 =	vld [tilespmem:$0xC90]  }
0x42: {  	v32 =	vld [tilespmem:$0x5A0]  }
0x43: {  	v37 =	vld [tilespmem:$0x620]  }
0x44: {  	v41 =	vld [tilespmem:$0x6A0]  }
0x45: {  	v45 =	vld [tilespmem:$0x720]  }
0x46: {  	v49 =	vld [tilespmem:$0x7A0]  }
0x47: {  	v53 =	vld [tilespmem:$0x820]  }
0x48: {  	v30 =	vld [tilespmem:$0x9A0]  }
0x49: {  	v36 =	vld [tilespmem:$0xA20]  }
0x4a: {  	v40 =	vld [tilespmem:$0xAA0]  }
0x4b: {  	v44 =	vld [tilespmem:$0xB20]  }
0x4c: {  	v48 =	vld [tilespmem:$0xBA0]  }
0x4d: {  	v51 =	vld [tilespmem:$0xC20]  }
0x4e: {  	v55 =	vld [tilespmem:$0xCA0]  }
0x4f: {  	v1 =	vld [tilespmem:$0xB0]  }
0x50: {  	v2 =	vld [tilespmem:$0x1B0]  }
0x51: {  	v3 =	vld [tilespmem:$0x230]  }
0x52: {  	[tilespmem:$0x1FD10] =	vst v58;
	v58 =	vld [tilespmem:$0x690]  }
0x53: {  	[tilespmem:$0x1FD30] =	vst v61;
	v61 =	vld [tilespmem:$0x710]  }
0x54: {  	[tilespmem:$0x1FE70] =	vst v10;
	v10 =	vld [tilespmem:$0xA0]  }
0x55: {  	[tilespmem:$0x1FEA0] =	vst v11;
	v11 =	vld [tilespmem:$0x120]  }
0x56: {  	[tilespmem:$0x1FDE0] =	vst v7;
	v7 =	vld [tilespmem:$0x1A0]  }
0x57: {  	[tilespmem:$0x1FE40] =	vst v9;
	v9 =	vld [tilespmem:$0x220]  }
0x58: {  	[tilespmem:$0x1FD50] =	vst v13;
	v13 =	vld [tilespmem:$0x2A0]  }
0x59: {  	[tilespmem:$0x1FD90] =	vst v15;
	v15 =	vld [tilespmem:$0x320]  }
0x5a: {  	[tilespmem:$0x1FDD0] =	vst v17;
	v17 =	vld [tilespmem:$0x3A0]  }
0x5b: {  	[tilespmem:$0x1FE30] =	vst v20;
	v20 =	vld [tilespmem:$0x420]  }
0x5c: {  	[tilespmem:$0x1FE90] =	vst v25;
	v25 =	vld [tilespmem:$0x4A0]  }
0x5d: {  	[tilespmem:$0x1FF00] =	vst v28;
	v28 =	vld [tilespmem:$0x520]  }
0x5e: {  	[tilespmem:$0x1FD00] =	vst v57;
	v57 =	vld [tilespmem:$0x8A0]  }
0x5f: {  	[tilespmem:$0x1FD40] =	vst v62;
	v62 =	vld [tilespmem:$0x920]  }
0x60: {  	[tilespmem:$0x1FCF0] =	vst v0;
	v0 =	vld [tilespmem:$0x130]  }
0x61: {  	[tilespmem:$0x1FD80] =	vst v4;
	v4 =	vld [tilespmem:$0x2B0]  }
0x62: {  	[tilespmem:$0x1FDA0] =	vst v5;
	v5 =	vld [tilespmem:$0x330]  }
0x63: {  	[tilespmem:$0x1FDC0] =	vst v6;
	v6 =	vld [tilespmem:$0x3B0]  }
0x64: {  	[tilespmem:$0x1FE10] =	vst v8;
	v8 =	vld [tilespmem:$0x430]  }
0x65: {  	[tilespmem:$0x1FEE0] =	vst v12;
	v12 =	vld [tilespmem:$0x4B0]  }
0x66: {  	[tilespmem:$0x1FD70] =	vst v14;
	v14 =	vld [tilespmem:$0x530]  }
0x67: {  	[tilespmem:$0x1FDB0] =	vst v16;
	v16 =	vld [tilespmem:$0x5B0]  }
0x68: {  	[tilespmem:$0x1FE00] =	vst v18;
	v18 =	vld [tilespmem:$0x630]  }
0x69: {  	[tilespmem:$0x1FE60] =	vst v23;
	v23 =	vld [tilespmem:$0x6B0]  }
0x6a: {  	[tilespmem:$0x1FEC0] =	vst v27;
	v27 =	vld [tilespmem:$0x730]  }
0x6b: {  	[tilespmem:$0x1FDF0] =	vst v30;
	v30 =	vld [tilespmem:$0x7B0]  }
0x6c: {  	[tilespmem:$0x1FE20] =	vst v36;
	v36 =	vld [tilespmem:$0x830]  }
0x6d: {  	[tilespmem:$0x1FE50] =	vst v40;
	v40 =	vld [tilespmem:$0x8B0]  }
0x6e: {  	[tilespmem:$0x1FE80] =	vst v44;
	v44 =	vld [tilespmem:$0x930]  }
0x6f: {  	[tilespmem:$0x1FEB0] =	vst v48;
	v48 =	vld [tilespmem:$0x9B0]  }
0x70: {  	[tilespmem:$0x1FEF0] =	vst v51;
	v51 =	vld [tilespmem:$0xA30]  }
0x71: {  	[tilespmem:$0x1FF20] =	vst v55;
	v55 =	vld [tilespmem:$0xAB0]  }
0x72: {  	[tilespmem:$0x1FD20] =	vst v60;
	v60 =	vld [tilespmem:$0xBB0]  }
0x73: {  	[tilespmem:$0x1FD60] =	vst v63;
	v63 =	vld [tilespmem:$0xB30]  }
0x74: {  	v33 =	vadd.f32 v31, v33;
	v31 =	vld [tilespmem:$0x440]  }
0x75: {  	v21 =	vadd.f32 v21, v19;
	v19 =	vld [tilespmem:$0x4C0]  }
0x76: {  	v33 =	vadd.f32 v35, v33;
	v35 =	vld [tilespmem:$0x740]  }
0x77: {  	[tilespmem:$0x1FED0] =	vst v60;
	v60 =	vld [tilespmem:$0xC30];
	v11 =	vadd.f32 v11, v10  }
0x78: {  	v39 =	vadd.f32 v39, v33;
	v10 =	vld [tilespmem:$0x540];
	v0 =	vadd.f32 v0, v1  }
0x79: {  	v7 =	vadd.f32 v7, v11;
	v11 =	vld [tilespmem:$0x7C0]  }
0x7a: {  	v1 =	vadd.f32 v43, v39;
	v0 =	vadd.f32 v2, v0;
	v2 =	vld [tilespmem:$0x840]  }
0x7b: {  	[tilespmem:$0x1FFB0] =	vst v35;
	v35 =	vld [tilespmem:$0x1FD50]  }
0x7c: {  	v1 =	vadd.f32 v47, v1;
	v47 =	vld [tilespmem:$0x8C0]  }
0x7d: {  	v33 =	vadd.f32 v9, v7;
	[tilespmem:$0x1FF10] =	vst v60;
	v60 =	vld [tilespmem:$0xCB0]  }
0x7e: {  	v1 =	vadd.f32 v52, v1;
	v52 =	vld [tilespmem:$0xBC0]  }
0x7f: {  	v43 =	vadd.f32 v13, v33;
	v13 =	vld [tilespmem:$0x9C0]  }
0x80: {  	v33 =	vld [tilespmem:$0x1FD30]  }
0x81: {  	v1 =	vadd.f32 v56, v1;
	v56 =	vld [tilespmem:$0xB40]  }
0x82: {  	v0 =	vadd.f32 v3, v0;
	v3 =	vadd.f32 v15, v43;
	v15 =	vld [tilespmem:$0xA40]  }
0x83: {  	[tilespmem:$0x1FF50] =	vst v60;
	v60 =	vld [tilespmem:$0xC0]  }
0x84: {  	v0 =	vadd.f32 v4, v0;
	[tilespmem:$0x1FFC0] =	vst v47;
	v47 =	vld [tilespmem:$0xC40]  }
0x85: {  	v43 =	vld [tilespmem:$0x1FDB0]  }
0x86: {  	v0 =	vadd.f32 v5, v0;
	v5 =	vld [tilespmem:$0x950]  }
0x87: {  	v1 =	vadd.f32 v59, v1;
	v59 =	vld [tilespmem:$0x1FE10]  }
0x88: {  	v3 =	vadd.f32 v17, v3;
	[tilespmem:$0x1FF30] =	vst v60;
	v60 =	vld [tilespmem:$0x140]  }
0x89: {  	v0 =	vadd.f32 v6, v0;
	v17 =	vld [tilespmem:$0xAC0]  }
0x8a: {  	v3 =	vadd.f32 v20, v3;
	v20 =	vld [tilespmem:$0x1FCF0]  }
0x8b: {  	v0 =	vadd.f32 v8, v0;
	v8 =	vld [tilespmem:$0xAD0]  }
0x8c: {  	[tilespmem:$0x1FFE0] =	vst v15;
	v15 =	vld [tilespmem:$0xD0]  }
0x8d: {  	[tilespmem:$0x1FF40] =	vst v60;
	v60 =	vld [tilespmem:$0x1C0]  }
0x8e: {  	v3 =	vadd.f32 v25, v3;
	v25 =	vld [tilespmem:$0x1D0]  }
0x8f: {  	v0 =	vadd.f32 v12, v0;
	v12 =	vld [tilespmem:$0xC50]  }
0x90: {  	[tilespmem:$0x1FFF0] =	vst v17;
	v17 =	vld [tilespmem:$0x150]  }
0x91: {  	v3 =	vadd.f32 v28, v3;
	v28 =	vld [tilespmem:$0x2D0]  }
0x92: {  	[tilespmem:$0x1FF60] =	vst v60;
	v60 =	vld [tilespmem:$0x240]  }
0x93: {  	v0 =	vadd.f32 v14, v0;
	v14 =	vld [tilespmem:$0xA50]  }
0x94: {  	v1 =	vadd.f32 v20, v1;
	v20 =	vld [tilespmem:$0x1FE50];
	v3 =	vadd.f32 v32, v3  }
0x95: {  	v32 =	vld [tilespmem:$0x1FD20]  }
0x96: {  	v0 =	vadd.f32 v16, v0;
	v16 =	vld [tilespmem:$0x1FE40];
	v3 =	vadd.f32 v37, v3  }
0x97: {  	[tilespmem:$0x1FF70] =	vst v60;
	v60 =	vld [tilespmem:$0x2C0]  }
0x98: {  	v0 =	vadd.f32 v18, v0;
	v18 =	vld [tilespmem:$0x350];
	v3 =	vadd.f32 v41, v3  }
0x99: {  	v37 =	vld [tilespmem:$0x1FD60]  }
0x9a: {  	v0 =	vadd.f32 v23, v0;
	v23 =	vld [tilespmem:$0x450];
	v3 =	vadd.f32 v45, v3  }
0x9b: {  	v41 =	vld [tilespmem:$0x1FD90]  }
0x9c: {  	v0 =	vadd.f32 v27, v0;
	v3 =	vadd.f32 v49, v3;
	[tilespmem:$0x1FF80] =	vst v60;
	v60 =	vld [tilespmem:$0x340]  }
0x9d: {  	v27 =	vld [tilespmem:$0x550]  }
0x9e: {  	v0 =	vadd.f32 v30, v0;
	v30 =	vld [tilespmem:$0x650];
	v3 =	vadd.f32 v53, v3  }
0x9f: {  	v49 =	vld [tilespmem:$0x1FDC0]  }
0xa0: {  	v0 =	vadd.f32 v36, v0;
	v3 =	vadd.f32 v57, v3;
	v57 =	vld [tilespmem:$0x1FDF0]  }
0xa1: {  	[tilespmem:$0x1FF90] =	vst v60;
	v60 =	vld [tilespmem:$0x3C0]  }
0xa2: {  	v36 =	vld [tilespmem:$0x750];
	v45 =	vadd.f32 v40, v0  }
0xa3: {  	v0 =	vld [tilespmem:$0x850]  }
0xa4: {  	v3 =	vadd.f32 v62, v3;
	v53 =	vadd.f32 v44, v45;
	v44 =	vld [tilespmem:$0x1FEA0]  }
0xa5: {  	v45 =	vld [tilespmem:$0x1FEB0]  }
0xa6: {  	v3 =	vadd.f32 v57, v3;
	v57 =	vld [tilespmem:$0x1E0];
	[tilespmem:$0x1FFA0] =	vst v60;
	v60 =	vadd.f32 v24, v21  }
0xa7: {  	v24 =	vld [tilespmem:$0x5C0]  }
0xa8: {  	v21 =	vld [tilespmem:$0x640];
	v60 =	vadd.f32 v22, v60  }
0xa9: {  	v22 =	vld [tilespmem:$0x6C0]  }
0xaa: {  	v39 =	vadd.f32 v26, v60;
	v60 =	vld [tilespmem:$0x940]  }
0xab: {  	v26 =	vld [tilespmem:$0x1FD00]  }
0xac: {  	v7 =	vadd.f32 v29, v39;
	v29 =	vld [tilespmem:$0x1FD10]  }
0xad: {  	v39 =	vld [tilespmem:$0x1FD80]  }
0xae: {  	v9 =	vadd.f32 v34, v7;
	v34 =	vld [tilespmem:$0x1FD40]  }
0xaf: {  	v7 =	vadd.f32 v48, v53;
	v48 =	vld [tilespmem:$0x1FEC0]  }
0xb0: {  	v53 =	vld [tilespmem:$0x170]  }
0xb1: {  	v1 =	vadd.f32 v26, v1;
	v26 =	vld [tilespmem:$0x250]  }
0xb2: {  	[tilespmem:$0x1FFD0] =	vst v60;
	v60 =	vld [tilespmem:$0x1FE20]  }
0xb3: {  	v4 =	vadd.f32 v38, v9;
	v38 =	vld [tilespmem:$0x1FD70]  }
0xb4: {  	v62 =	vadd.f32 v51, v7;
	v7 =	vld [tilespmem:$0xB50]  }
0xb5: {  	v9 =	vld [tilespmem:$0xCD0]  }
0xb6: {  	v51 =	vld [tilespmem:$0x1FEF0]  }
0xb7: {  	v1 =	vadd.f32 v29, v1;
	v29 =	vld [tilespmem:$0x9D0]  }
0xb8: {  	v4 =	vadd.f32 v42, v4;
	v42 =	vld [tilespmem:$0x1FDA0]  }
0xb9: {  	v40 =	vadd.f32 v55, v62;
	v55 =	vld [tilespmem:$0x1FF10]  }
0xba: {  	v15 =	vadd.f32 v17, v15;
	v62 =	vld [tilespmem:$0x1FF50]  }
0xbb: {  	v1 =	vadd.f32 v32, v1;
	v32 =	vld [tilespmem:$0x3D0]  }
0xbc: {  	v15 =	vadd.f32 v25, v15;
	v4 =	vadd.f32 v46, v4;
	v46 =	vld [tilespmem:$0xCC0]  }
0xbd: {  	v3 =	vadd.f32 v60, v3;
	v60 =	vld [tilespmem:$0x1FF40]  }
0xbe: {  	v15 =	vadd.f32 v26, v15;
	v1 =	vadd.f32 v33, v1;
	v33 =	vld [tilespmem:$0x4D0]  }
0xbf: {  	v4 =	vadd.f32 v50, v4;
	v50 =	vld [tilespmem:$0x1FDD0]  }
0xc0: {  	v15 =	vadd.f32 v28, v15;
	v28 =	vld [tilespmem:$0x7F0]  }
0xc1: {  	v1 =	vadd.f32 v34, v1;
	v34 =	vld [tilespmem:$0x5D0]  }
0xc2: {  	v4 =	vadd.f32 v54, v4;
	v54 =	vld [tilespmem:$0x1FDE0]  }
0xc3: {  	v15 =	vadd.f32 v18, v15;
	v1 =	vadd.f32 v37, v1;
	v37 =	vld [tilespmem:$0x7D0]  }
0xc4: {  	v4 =	vadd.f32 v58, v4;
	v58 =	vld [tilespmem:$0x1FE00]  }
0xc5: {  	v15 =	vadd.f32 v32, v15;
	v32 =	vld [tilespmem:$0x870]  }
0xc6: {  	v1 =	vadd.f32 v39, v1;
	v39 =	vld [tilespmem:$0x1FE60]  }
0xc7: {  	v4 =	vadd.f32 v61, v4;
	v61 =	vld [tilespmem:$0x1FE30]  }
0xc8: {  	v15 =	vadd.f32 v23, v15;
	v1 =	vadd.f32 v42, v1;
	v42 =	vld [tilespmem:$0x1FE80]  }
0xc9: {  	v4 =	vadd.f32 v35, v4;
	v35 =	vld [tilespmem:$0x6D0]  }
0xca: {  	v15 =	vadd.f32 v33, v15;
	v33 =	vld [tilespmem:$0x8E0]  }
0xcb: {  	v6 =	vadd.f32 v49, v1;
	v1 =	vld [tilespmem:$0x8D0];
	v4 =	vadd.f32 v38, v4  }
0xcc: {  	v49 =	vld [tilespmem:$0x1FED0]  }
0xcd: {  	v38 =	vadd.f32 v20, v3;
	v3 =	vld [tilespmem:$0xBD0];
	v4 =	vadd.f32 v41, v4  }
0xce: {  	v20 =	vadd.f32 v63, v40;
	v63 =	vld [tilespmem:$0x260]  }
0xcf: {  	v6 =	vadd.f32 v54, v6;
	v54 =	vld [tilespmem:$0x1FF00];
	v4 =	vadd.f32 v43, v4  }
0xd0: {  	v15 =	vadd.f32 v27, v15;
	v41 =	vld [tilespmem:$0x1FE70]  }
0xd1: {  	v6 =	vadd.f32 v59, v6;
	v59 =	vld [tilespmem:$0x1FF30];
	v4 =	vadd.f32 v50, v4  }
0xd2: {  	v15 =	vadd.f32 v34, v15;
	v43 =	vld [tilespmem:$0x1FE90]  }
0xd3: {  	v40 =	vadd.f32 v49, v20;
	v49 =	vld [tilespmem:$0x270];
	v4 =	vadd.f32 v58, v4  }
0xd4: {  	v15 =	vadd.f32 v30, v15;
	v30 =	vld [tilespmem:$0x860];
	v6 =	vadd.f32 v16, v6  }
0xd5: {  	v16 =	vadd.f32 v42, v38;
	v38 =	vld [tilespmem:$0xE0];
	v4 =	vadd.f32 v61, v4  }
0xd6: {  	v50 =	vld [tilespmem:$0x1FEE0]  }
0xd7: {  	v6 =	vadd.f32 v41, v6;
	v41 =	vld [tilespmem:$0xF0];
	v4 =	vadd.f32 v39, v4  }
0xd8: {  	v39 =	vld [tilespmem:$0x160]  }
0xd9: {  	v16 =	vadd.f32 v45, v16;
	v45 =	vld [tilespmem:$0x470];
	v4 =	vadd.f32 v43, v4  }
0xda: {  	v58 =	vld [tilespmem:$0x1FF20];
	v6 =	vadd.f32 v44, v6  }
0xdb: {  	v4 =	vadd.f32 v48, v4;
	v48 =	vld [tilespmem:$0x1FF60]  }
0xdc: {  	v44 =	vld [tilespmem:$0x1FFA0];
	v20 =	vadd.f32 v50, v6  }
0xdd: {  	v50 =	vadd.f32 v53, v41;
	v53 =	vld [tilespmem:$0x1FF70];
	v38 =	vadd.f32 v39, v38  }
0xde: {  	v61 =	vld [tilespmem:$0x1F0];
	v43 =	vadd.f32 v60, v59  }
0xdf: {  	v38 =	vadd.f32 v57, v38;
	v57 =	vld [tilespmem:$0x1FF80]  }
0xe0: {  	v6 =	vadd.f32 v51, v16;
	v51 =	vld [tilespmem:$0x2E0];
	v43 =	vadd.f32 v48, v43  }
0xe1: {  	v16 =	vadd.f32 v55, v40;
	v60 =	vld [tilespmem:$0x1FF90]  }
0xe2: {  	v4 =	vadd.f32 v54, v4;
	v54 =	vld [tilespmem:$0x2F0];
	v42 =	vadd.f32 v53, v43  }
0xe3: {  	v55 =	vld [tilespmem:$0x360];
	v6 =	vadd.f32 v58, v6;
	v25 =	vadd.f32 v61, v50  }
0xe4: {  	v58 =	vld [tilespmem:$0x370];
	v17 =	vadd.f32 v63, v38;
	v42 =	vadd.f32 v57, v42  }
0xe5: {  	v59 =	vld [tilespmem:$0x3E0];
	v25 =	vadd.f32 v49, v25  }
0xe6: {  	v61 =	vld [tilespmem:$0x3F0];
	v17 =	vadd.f32 v51, v17;
	v39 =	vadd.f32 v60, v42  }
0xe7: {  	v16 =	vadd.f32 v62, v16;
	v63 =	vld [tilespmem:$0x460];
	v62 =	vadd.f32 v54, v25  }
0xe8: {  	v50 =	vld [tilespmem:$0x560];
	v17 =	vadd.f32 v55, v17;
	v39 =	vadd.f32 v44, v39  }
0xe9: {  	v48 =	vld [tilespmem:$0x4E0];
	v18 =	vadd.f32 v58, v62  }
0xea: {  	v49 =	vld [tilespmem:$0x4F0];
	v17 =	vadd.f32 v59, v17;
	v31 =	vadd.f32 v31, v39  }
0xeb: {  	v51 =	vld [tilespmem:$0x570];
	v18 =	vadd.f32 v61, v18  }
0xec: {  	v53 =	vld [tilespmem:$0x5E0];
	v17 =	vadd.f32 v63, v17;
	v19 =	vadd.f32 v19, v31  }
0xed: {  	v54 =	vld [tilespmem:$0x5F0];
	v18 =	vadd.f32 v45, v18  }
0xee: {  	v55 =	vld [tilespmem:$0x660];
	v17 =	vadd.f32 v48, v17;
	v10 =	vadd.f32 v10, v19  }
0xef: {  	v57 =	vld [tilespmem:$0x670];
	v18 =	vadd.f32 v49, v18  }
0xf0: {  	v58 =	vld [tilespmem:$0x6E0];
	v17 =	vadd.f32 v50, v17;
	v10 =	vadd.f32 v24, v10  }
0xf1: {  	v63 =	vld [tilespmem:$0x1FFB0];
	v18 =	vadd.f32 v51, v18  }
0xf2: {  	v59 =	vld [tilespmem:$0x6F0];
	v17 =	vadd.f32 v53, v17;
	v10 =	vadd.f32 v21, v10  }
0xf3: {  	v15 =	vadd.f32 v35, v15;
	v60 =	vld [tilespmem:$0x760];
	v18 =	vadd.f32 v54, v18  }
0xf4: {  	v61 =	vld [tilespmem:$0x770];
	v17 =	vadd.f32 v55, v17;
	v10 =	vadd.f32 v22, v10  }
0xf5: {  	v15 =	vadd.f32 v36, v15;
	v62 =	vld [tilespmem:$0x7E0];
	v18 =	vadd.f32 v57, v18  }
0xf6: {  	v35 =	vld [tilespmem:$0x8F0];
	v17 =	vadd.f32 v58, v17;
	v10 =	vadd.f32 v63, v10  }
0xf7: {  	v15 =	vadd.f32 v37, v15;
	v38 =	vld [tilespmem:$0x1FFC0];
	v18 =	vadd.f32 v59, v18  }
0xf8: {  	v37 =	vld [tilespmem:$0x960];
	v31 =	vadd.f32 v60, v17;
	v10 =	vadd.f32 v11, v10  }
0xf9: {  	v0 =	vadd.f32 v0, v15;
	v42 =	vld [tilespmem:$0x1FFD0];
	v18 =	vadd.f32 v61, v18  }
0xfa: {  	v41 =	vld [tilespmem:$0x9E0];
	v34 =	vadd.f32 v62, v31;
	v2 =	vadd.f32 v2, v10  }
0xfb: {  	v0 =	vadd.f32 v1, v0;
	v43 =	vld [tilespmem:$0x9F0];
	v36 =	vadd.f32 v28, v18  }
0xfc: {  	v39 =	vld [tilespmem:$0x970];
	v10 =	vadd.f32 v30, v34;
	v2 =	vadd.f32 v38, v2  }
0xfd: {  	v0 =	vadd.f32 v5, v0;
	v49 =	vld [tilespmem:$0x1FFE0];
	v40 =	vadd.f32 v32, v36  }
0xfe: {  	v44 =	vld [tilespmem:$0xA60];
	v10 =	vadd.f32 v33, v10;
	v2 =	vadd.f32 v42, v2  }
0xff: {  	v0 =	vadd.f32 v29, v0;
	v53 =	vld [tilespmem:$0x1FFF0];
	v1 =	vadd.f32 v35, v40  }
0x100: {  	v45 =	vld [tilespmem:$0xA70];
	v10 =	vadd.f32 v37, v10;
	v2 =	vadd.f32 v13, v2  }
0x101: {  	v0 =	vadd.f32 v14, v0;
	v48 =	vld [tilespmem:$0xAE0];
	v1 =	vadd.f32 v39, v1  }
0x102: {  	v50 =	vld [tilespmem:$0xAF0];
	v10 =	vadd.f32 v41, v10;
	v2 =	vadd.f32 v49, v2  }
0x103: {  	v0 =	vadd.f32 v8, v0;
	v51 =	vld [tilespmem:$0xB60];
	v1 =	vadd.f32 v43, v1  }
0x104: {  	v54 =	vld [tilespmem:$0xB70];
	v5 =	vadd.f32 v44, v10;
	v2 =	vadd.f32 v53, v2  }
0x105: {  	v0 =	vadd.f32 v7, v0;
	v55 =	vld [tilespmem:$0xBE0];
	v1 =	vadd.f32 v45, v1  }
0x106: {  	v5 =	vadd.f32 v48, v5;
	v2 =	vadd.f32 v56, v2;
	v56 =	vld [tilespmem:$0xBF0]  }
0x107: {  	v57 =	vld [tilespmem:$0xC60];
	v1 =	vadd.f32 v50, v1  }
0x108: {  	v0 =	vadd.f32 v3, v0;
	v58 =	vld [tilespmem:$0xC70];
	v5 =	vadd.f32 v51, v5  }
0x109: {  	v59 =	vld [tilespmem:$0xCE0];
	v1 =	vadd.f32 v54, v1;
	v2 =	vadd.f32 v52, v2  }
0x10a: {  	[tilespmem:$0x1080] =	vst v20;
	v0 =	vadd.f32 v12, v0;
	v60 =	vld [tilespmem:$0xCF0];
	v5 =	vadd.f32 v55, v5  }
0x10b: {  	[tilespmem:$0x10A0] =	vst v6;
	v2 =	vadd.f32 v47, v2;
	v1 =	vadd.f32 v56, v1  }
0x10c: {  	[tilespmem:$0x10B0] =	vst v16;
	v0 =	vadd.f32 v9, v0;
	v61 =	vadd.f32 v57, v5  }
0x10d: {  	[tilespmem:$0x1090] =	vst v4;
	v2 =	vadd.f32 v46, v2;
	v1 =	vadd.f32 v58, v1  }
0x10e: {  	[tilespmem:$0x10D0] =	vst v0;
	v62 =	vadd.f32 v59, v61  }
0x10f: {  	[tilespmem:$0x10C0] =	vst v2;
	v63 =	vadd.f32 v60, v1  }
0x110: {  	s3 =	sadd.s32 $0x400, s3;
	[tilespmem:$0x10E0] =	vst v62  }
0x111: {  	s31 =	simm.s32 $0x1080;
	s3 =	sadd.s32 s3, s5;
	[tilespmem:$0x10F0] =	vst v63  }
0x112: {  	[hbm4b:s3+s2] =	stream.linear.scatter [tilespmem:s31], [sflag:$0x2], $0x80, $0x38;
	[tilespmem:$0x1100] =	vst v63  }
0x113: {  	_ =	swait.ge [sflag:s29], $0x80  }
0x114: {  	[sflag:s29] =	ssyncset.done $0x0  }
0x115: {  	[sflag:s29] =	ssyncadd.s32 $0xFFFFFF80  }
.LBB2_2:
0x116: {  	_ =	sfence.sel $0x180000  }
0x117: {  	[bflag:$0x0] =	sbarrier.arrive $0xFFFF  }
0x118: {  	p0 =	sne.s32 s1, $0x0;
	_ =	strace $0x90000047  }
0x119: {  	s0 =	sadd.s32 @!p0 $0x100000, s0;
	[bflag:$0x2] =	sbarrier.arrive $0xFFFF  }
0x11a: {  	[sflag:s0] =	ssyncadd.tile.s32 @!p0 $0x1;
	_ =	shalt  }
.Lfunc_end2:
_tile_overlayer_lowered:
.L_overlay_start_2:
0x11b: {  	(tag) =	ssettag $0x2  }
0x11c: {  	s0 =	rddreg [dreg:$0x0];
	s2 =	stileid.u32  }
0x11d: {  	s1 =	rddreg [dreg:$0x1];
	p0 =	sne.s32 s2, $0x0  }
0x11e: {  	s3 =	rddreg [dreg:$0x2];
	[bflag:$0x3] =	sbarrier.arrive $0xFFFF;
	s2 =	simm.s32 @!p0 $0x1C02  }
0x11f: {  	[timem:s3], [sflag:s2] =	dma.local @!p0 [hbm:s0], s1  }
0x120: {  	s0 =	simm.s32 @!p0 $0x2  }
0x121: {  	_ =	swait.ge @!p0 [sflag:s0], s1  }
0x122: {  	s1 =	ssub.s32 @!p0 $0x0, s1;
	[sflag:s0] =	ssyncset.done @!p0 $0x0  }
0x123: {  	[sflag:s0] =	ssyncadd.s32 @!p0 s1  }
0x124: {  	[bflag:$0x3] =	sbarrier.arrive $0xFFFF  }
0x125: {  	_ =	shalt  }

</sc_bundles>
